<compile_context>
chip_gen: v7x
topology: tpu7x:2x2x1
jax: 0.10.2.dev20260603
libtpu: 0.0.44.dev20260713+nightly
codegen_flags: <defaults>
</compile_context>

<pallas_src>
import functools
import math

import jax
import jax.numpy as jnp
from jax.experimental import pallas as pl
from jax.experimental.pallas import tpu as pltpu
from jax.experimental.pallas import tpu_sc as plsc

B = 8
N_ATOMS = 8192
N_HIDDEN = 128
N_LAYERS = 2
R_MAX = 5.0
ETA = 0.4
K_MAX = 4.0
E3_TOL = 1e-6
E_CHARGE = 1.602176634e-19
EPS0 = 8.8541878128e-12
CONV_FACT = 1.0e10 * E_CHARGE / (4.0 * math.pi * EPS0)

G = 24
K = G * G * G
NT = 2048
TK = 3456
PREC = jax.lax.Precision.DEFAULT
MLP_PREC = jax.lax.Precision.HIGHEST


def _sf_kernel(pos_ref, q_ref, bt_ref, rcp_ref, c_ref, s_ref, cnt_ref):
    t = pl.program_id(0)
    pos = pos_ref[...]
    q = q_ref[...]
    bt = bt_ref[...]

    theta = []
    for d in range(3):
        acc = jnp.zeros_like(q)
        for b in range(B):
            v = (rcp_ref[b, 0, 3 * d + 0] * pos[0:1]
                 + rcp_ref[b, 0, 3 * d + 1] * pos[1:2]
                 + rcp_ref[b, 0, 3 * d + 2] * pos[2:3])
            acc = acc + jnp.where(bt == b, v, 0.0)
        theta.append(acc)

    gcol = jax.lax.broadcasted_iota(jnp.int32, (G, NT), 0).astype(jnp.float32) - 12.0
    ang_x = gcol * theta[0]
    ang_y = gcol * theta[1]
    ang_z = gcol * theta[2]
    cx, sx = jnp.cos(ang_x), jnp.sin(ang_x)
    cy, sy = jnp.cos(ang_y), jnp.sin(ang_y)
    cz, sz = jnp.cos(ang_z), jnp.sin(ang_z)

    b_iota = jax.lax.broadcasted_iota(jnp.int32, (B, NT), 0)
    qm = jnp.where(bt == b_iota, q, 0.0)

    P = jnp.concatenate([qm[b:b + 1] * cx for b in range(B)], axis=0)
    Q = jnp.concatenate([qm[b:b + 1] * sx for b in range(B)], axis=0)
    Wc = jnp.concatenate(
        [cy[i:i + 1] * cz - sy[i:i + 1] * sz for i in range(G)], axis=0)
    Ws = jnp.concatenate(
        [sy[i:i + 1] * cz + cy[i:i + 1] * sz for i in range(G)], axis=0)

    dn = (((1,), (1,)), ((), ()))
    dd = functools.partial(jax.lax.dot_general, dimension_numbers=dn,
                           preferred_element_type=jnp.float32, precision=PREC)
    c_new = dd(P, Wc) - dd(Q, Ws)
    s_new = dd(Q, Wc) + dd(P, Ws)
    cnt_new = jnp.sum(jnp.where(bt == b_iota, 1.0, 0.0),
                      axis=1, keepdims=True).reshape(B, 1, 1)

    @pl.when(t == 0)
    def _():
        c_ref[...] = c_new
        s_ref[...] = s_new
        cnt_ref[...] = cnt_new

    @pl.when(t > 0)
    def _():
        c_ref[...] += c_new
        s_ref[...] += s_new
        cnt_ref[...] += cnt_new


def _phi_kernel(rnm_ref, rcp_ref, aux_ref, cb_ref, sb_ref, wcol_ref,
                whs_ref, vcols_ref, cnt_ref, er_ref, ec_ref, tab_ref, acc_ref):
    kt = pl.program_id(1)
    rn = rnm_ref[0, 0:1]
    mask = rnm_ref[0, 1:2] > 0.5

    def layernorm_silu(h, g, be):
        mu = jnp.mean(h, axis=0, keepdims=True)
        var = jnp.mean((h - mu) ** 2, axis=0, keepdims=True)
        hn = (h - mu) / jnp.sqrt(var + 1e-5) * g + be
        return hn / (1.0 + jnp.exp(-hn))

    col = lambda j: vcols_ref[:, j:j + 1]
    h = wcol_ref[...] * rn + col(0)
    h = layernorm_silu(h, col(1), col(2))
    for i in range(N_LAYERS):
        W = whs_ref[i * N_HIDDEN:(i + 1) * N_HIDDEN, :]
        h = jax.lax.dot_general(W, h, (((1,), (0,)), ((), ())),
                                preferred_element_type=jnp.float32,
                                precision=MLP_PREC) + col(3 * i + 3)
        h = layernorm_silu(h, col(3 * i + 4), col(3 * i + 5))
    wo = vcols_ref[:, 9:10]
    phi = jnp.sum(h * wo, axis=0, keepdims=True) + vcols_ref[0, 10]

    s2 = cb_ref[0] ** 2 + sb_ref[0] ** 2
    contrib = jnp.where(mask, phi * s2, 0.0)
    part = jnp.sum(contrib)

    @pl.when(kt == 0)
    def _():
        acc_ref[0] = part

    @pl.when(kt > 0)
    def _():
        acc_ref[0] += part

    @pl.when(kt == (K // TK) - 1)
    def _():
        vol = aux_ref[0, 0, 0]
        tc = aux_ref[0, 0, 1]
        alpha = aux_ref[0, 0, 2]
        er = CONV_FACT * acc_ref[0] / vol
        ec = (-CONV_FACT / 2.0) * jnp.pi / vol / ETA * tc * tc * alpha
        er_ref[...] = er.reshape(1, 1, 1)
        ec_ref[...] = ec.reshape(1, 1, 1)
        inv = 1.0 / cnt_ref[0, 0, 0]
        lane = jax.lax.broadcasted_iota(jnp.int32, (1, 1, 128), 2)
        tab_ref[...] = jnp.where(lane == 0, er * inv,
                                 jnp.where(lane == 1, ec * inv, 0.0))


_SC_W = 256


def _atom_gather(tab, batch2d):
    mesh = plsc.VectorSubcoreMesh(core_axis_name="core",
                                  subcore_axis_name="subcore")

    @pl.kernel(out_type=jax.ShapeDtypeStruct((N_ATOMS, 128), jnp.float32),
               mesh=mesh)
    def _k(tab_hbm, idx_hbm, o_hbm):
        def body(i_vmem, o_vmem):
            pltpu.sync_copy(tab_hbm.at[i_vmem.at[0]], o_vmem)

        pltpu.emit_pipeline(
            body,
            grid=(N_ATOMS // _SC_W,),
            in_specs=[pl.BlockSpec((1, _SC_W), index_map=lambda i: (0, i))],
            out_specs=[pl.BlockSpec((_SC_W, 128), index_map=lambda i: (i, 0))],
            core_axis_name=("core", "subcore"),
            dimension_semantics=(pltpu.PARALLEL,),
        )(idx_hbm, o_hbm)

    return _k(tab, batch2d)


def kernel(cell, positions, atomic_charges, batch, total_charge, params, alpha):
    f32 = jnp.float32
    volume = jnp.abs(jnp.sum(cell[:, 0] * jnp.cross(cell[:, 1], cell[:, 2]), axis=1))
    rcp = jnp.transpose(jnp.linalg.inv(cell), (0, 2, 1)) * (2.0 * jnp.pi)
    rcp_pad = jnp.zeros((B, 1, 128), f32).at[:, 0, :9].set(rcp.reshape(B, 9))

    pos_T = positions.T.astype(f32)
    q2d = atomic_charges.reshape(1, N_ATOMS).astype(f32)
    bt2d = batch.reshape(1, N_ATOMS).astype(jnp.int32)

    grid_a = (N_ATOMS // NT,)
    C, Sn, counts = pl.pallas_call(
        _sf_kernel,
        grid=grid_a,
        in_specs=[
            pl.BlockSpec((3, NT), lambda t: (0, t)),
            pl.BlockSpec((1, NT), lambda t: (0, t)),
            pl.BlockSpec((1, NT), lambda t: (0, t)),
            pl.BlockSpec((B, 1, 128), lambda t: (0, 0, 0)),
        ],
        out_specs=[
            pl.BlockSpec((B * G, G * G), lambda t: (0, 0)),
            pl.BlockSpec((B * G, G * G), lambda t: (0, 0)),
            pl.BlockSpec((B, 1, 1), lambda t: (0, 0, 0)),
        ],
        out_shape=[
            jax.ShapeDtypeStruct((B * G, G * G), f32),
            jax.ShapeDtypeStruct((B * G, G * G), f32),
            jax.ShapeDtypeStruct((B, 1, 1), f32),
        ],
    )(pos_T, q2d, bt2d, rcp_pad)

    Cb = C.reshape(B, 1, K)
    Snb = Sn.reshape(B, 1, K)

    g = jnp.arange(-12, 12).astype(f32)
    pts = jnp.stack(jnp.meshgrid(g, g, g, indexing="ij"),
                    axis=-1).reshape(K, 3)
    rs_g = jnp.einsum("kd,bdj->bkj", pts, rcp)
    rn_g = jnp.linalg.norm(rs_g, axis=2)
    recp_len = jnp.linalg.norm(rcp, axis=2)
    n_max = K_MAX / recp_len
    mins = jnp.floor(-n_max)
    maxes = jnp.ceil(n_max)
    valid = ((pts[None] >= mins[:, None, :])
             & (pts[None] < maxes[:, None, :])).all(axis=2)
    mask_g = valid & (rn_g > E3_TOL) & (rn_g < K_MAX)
    rnm = jnp.stack([rn_g, mask_g.astype(f32)], axis=1)

    aux = jnp.zeros((B, 1, 128), f32)
    aux = aux.at[:, 0, 0].set(volume)
    aux = aux.at[:, 0, 1].set(total_charge.astype(f32))
    aux = aux.at[:, 0, 2].set(jnp.broadcast_to(alpha.astype(f32), (B,)))

    H = N_HIDDEN
    wcol = params["W0"].astype(f32).T
    whs = jnp.concatenate(
        [params["Wh"][i].astype(f32).T for i in range(N_LAYERS)], axis=0)
    vec_list = [params["b0"], params["g0"], params["be0"]]
    for i in range(N_LAYERS):
        vec_list += [params["bh"][i], params["gh"][i], params["beh"][i]]
    vec_list += [params["Wo"][:, 0]]
    vcols = jnp.stack([v.astype(f32) for v in vec_list], axis=1)
    vcols = jnp.concatenate(
        [vcols, jnp.zeros((H, 118), f32).at[0, 0].set(params["bo"][0])], axis=1)

    grid_b = (B, K // TK)
    Er, Ec, tab = pl.pallas_call(
        _phi_kernel,
        grid=grid_b,
        in_specs=[
            pl.BlockSpec((1, 2, TK), lambda b, kt: (b, 0, kt)),
            pl.BlockSpec((1, 1, 128), lambda b, kt: (b, 0, 0)),
            pl.BlockSpec((1, 1, 128), lambda b, kt: (b, 0, 0)),
            pl.BlockSpec((1, 1, TK), lambda b, kt: (b, 0, kt)),
            pl.BlockSpec((1, 1, TK), lambda b, kt: (b, 0, kt)),
            pl.BlockSpec((H, 1), lambda b, kt: (0, 0)),
            pl.BlockSpec((N_LAYERS * H, H), lambda b, kt: (0, 0)),
            pl.BlockSpec((H, 128), lambda b, kt: (0, 0)),
            pl.BlockSpec((1, 1, 1), lambda b, kt: (b, 0, 0)),
        ],
        out_specs=[
            pl.BlockSpec((1, 1, 1), lambda b, kt: (b, 0, 0)),
            pl.BlockSpec((1, 1, 1), lambda b, kt: (b, 0, 0)),
            pl.BlockSpec((1, 1, 128), lambda b, kt: (b, 0, 0)),
        ],
        out_shape=[
            jax.ShapeDtypeStruct((B, 1, 1), f32),
            jax.ShapeDtypeStruct((B, 1, 1), f32),
            jax.ShapeDtypeStruct((B, 1, 128), f32),
        ],
        scratch_shapes=[pltpu.SMEM((1,), f32)],
    )(rnm, rcp_pad, aux, Cb, Snb, wcol, whs, vcols, counts)

    atom_vals = _atom_gather(tab.reshape(B, 128), bt2d)

    E_recip = Er.reshape(B, 1)
    E_cell = Ec.reshape(B, 1)
    return (E_recip, atom_vals[:, 0:1], E_cell,
            atom_vals[:, 1:2], volume.reshape(B, 1))

# --- scband reference (transcript-rebuilt; emitter-appended) ---
"""Pipeline reference for scband-reciprocal-nn-20323785244869 (READ-ONLY COPY).

The authoritative reference and input builder live on the scoring server;
editing this copy changes nothing except your own understanding.
"""

import math
import jax, jax.numpy as jnp
import numpy as np

B = 8
N_ATOMS = 8192
N_HIDDEN = 128
N_LAYERS = 2
R_MAX = 5.0
ETA = 0.4
K_MAX = 4.0
E3_TOL = 1e-6
E_CHARGE = 1.602176634e-19
EPS0 = 8.8541878128e-12
CONV_FACT = 1.0e10 * E_CHARGE / (4.0 * math.pi * EPS0)


def setup_inputs(seed: int = 0):
    key = jax.random.key(seed)
    ks = jax.random.split(key, 10)
    cell = jnp.eye(3, dtype=jnp.float32)[None] * 10.0 + 0.3 * jax.random.normal(ks[0], (B, 3, 3), dtype=jnp.float32)
    positions = 10.0 * jax.random.uniform(ks[1], (N_ATOMS, 3), dtype=jnp.float32)
    atomic_charges = 0.5 * jax.random.normal(ks[2], (N_ATOMS,), dtype=jnp.float32)
    batch = jnp.sort(jax.random.randint(ks[3], (N_ATOMS,), 0, B))
    total_charge = jax.random.normal(ks[4], (B,), dtype=jnp.float32)
    H = N_HIDDEN
    params = {
        "W0": jax.random.normal(ks[5], (1, H), dtype=jnp.float32),
        "b0": jnp.zeros((H,), jnp.float32),
        "g0": jnp.ones((H,), jnp.float32),
        "be0": jnp.zeros((H,), jnp.float32),
        "Wh": jax.random.normal(ks[6], (N_LAYERS, H, H), dtype=jnp.float32) / math.sqrt(H),
        "bh": jnp.zeros((N_LAYERS, H), jnp.float32),
        "gh": jnp.ones((N_LAYERS, H), jnp.float32),
        "beh": jnp.zeros((N_LAYERS, H), jnp.float32),
        "Wo": jax.random.normal(ks[7], (H, 1), dtype=jnp.float32) / math.sqrt(H),
        "bo": jnp.zeros((1,), jnp.float32),
    }
    alpha = jnp.asarray(1.0, dtype=jnp.float32)
    return dict(cell=cell, positions=positions, atomic_charges=atomic_charges, batch=batch, total_charge=total_charge, params=params, alpha=alpha)


def _layernorm(h, g, b):
    mu = jnp.mean(h, axis=-1, keepdims=True)
    var = jnp.var(h, axis=-1, keepdims=True)
    return (h - mu) / jnp.sqrt(var + 1e-5) * g + b


def _mlp(x, params):
    h = x @ params["W0"] + params["b0"]
    h = jax.nn.silu(_layernorm(h, params["g0"], params["be0"]))
    for i in range(N_LAYERS):
        h = h @ params["Wh"][i] + params["bh"][i]
        h = jax.nn.silu(_layernorm(h, params["gh"][i], params["beh"][i]))
    return h @ params["Wo"] + params["bo"]


def _get_points_in_sphere(rcp_lattice, rcut, eps):
    recp_len = jnp.linalg.norm(rcp_lattice, axis=2)
    n_max = rcut / recp_len
    mins = jnp.floor(-n_max).astype(jnp.int32)
    maxes = jnp.ceil(n_max).astype(jnp.int32)
    gbound = 12
    ax = jnp.arange(-gbound, gbound)
    gx, gy, gz = jnp.meshgrid(ax, ax, ax, indexing="ij")
    grid = jnp.stack([gx.ravel(), gy.ravel(), gz.ravel()], axis=1)
    valid = ((grid[None, :, :] >= mins[:, None, :]) & (grid[None, :, :] < maxes[:, None, :])).all(axis=2)
    pts = grid.astype(rcp_lattice.dtype)
    rs = jnp.einsum("kd,bdj->bkj", pts, rcp_lattice)
    rn = jnp.linalg.norm(rs, axis=2)
    m = valid & (rn > eps) & (rn < rcut)
    return rs, m


def reference(cell, positions, atomic_charges, batch, total_charge, params, alpha):
    volume = jnp.abs(jnp.sum(cell[:, 0] * jnp.cross(cell[:, 1], cell[:, 2]), axis=1))
    rcp_lattice = jnp.transpose(jnp.linalg.inv(cell), (0, 2, 1)) * (2.0 * jnp.pi)
    ks_vec, k_mask = _get_points_in_sphere(rcp_lattice, K_MAX, E3_TOL)
    atom_counts = jnp.bincount(batch, length=B)
    n_max_atoms = (2 * N_ATOMS) // B
    offs = jnp.concatenate([jnp.zeros((1,), atom_counts.dtype), jnp.cumsum(atom_counts)[:-1]])
    idx_in = jnp.arange(N_ATOMS) - offs[batch]
    pos_p = jnp.zeros((B, n_max_atoms, 3), positions.dtype).at[batch, idx_in].set(positions)
    q_p = jnp.zeros((B, n_max_atoms), atomic_charges.dtype).at[batch, idx_in].set(atomic_charges)

    def _per_batch(inp):
        rs_b, m_b, pos_b, q_b, vol_b = inp
        ks_norm = jnp.linalg.norm(rs_b, axis=1)[:, None]
        phi_k = _mlp(ks_norm, params)[:, 0]
        krs = jnp.einsum("kd,nd->kn", rs_b, pos_b)
        s_k = jnp.abs(jnp.sum(q_b * jnp.exp(-1j * krs), axis=-1))
        e_recip = CONV_FACT * phi_k * s_k ** 2 / vol_b
        return jnp.sum(jnp.where(m_b, e_recip, jnp.zeros_like(e_recip)))

    E_recip = jax.lax.map(_per_batch, (ks_vec, k_mask, pos_p, q_p, volume)).reshape(-1, 1)
    E_cell = (-CONV_FACT / 2.0 * jnp.pi / volume / ETA * total_charge ** 2 * alpha).reshape(-1, 1)
    denom = atom_counts[:, None].astype(E_recip.dtype)
    atomic_E_recip = (E_recip / denom)[batch]
    atomic_E_cell = (E_cell / denom)[batch]
    return (E_recip, atomic_E_recip, E_cell, atomic_E_cell, volume.reshape(-1, 1))

if __name__ == "__main__":
    import jax
    _d = setup_inputs()
    print(jax.jit(kernel)(*tuple(_d.values())))

</pallas_src>

<mosaic_0001>
#map = affine_map<(d0, d1) -> (0, 0)>
module attributes {stable_mosaic.version = 14 : i64} {
  func.func @_k(%arg0: i32, %arg1: i32, %arg2: memref<8x128xf32, #tpu.memory_space<hbm>>, %arg3: memref<1x8192xi32, #tpu.memory_space<hbm>>, %arg4: memref<8192x128xf32, #tpu.memory_space<hbm>>) attributes {dimension_semantics = [#tpu.dimension_semantics<core_parallel>, #tpu.dimension_semantics<subcore_parallel>], iteration_bounds = array<i64: 2, 16>, scalar_prefetch = 0 : i64, scratch_operands = 0 : i64, tpu.core_type = #tpu.core_type<sc_vector_subcore>, window_params = [{transform_indices = #map}, {transform_indices = #map}, {transform_indices = #map}]} {
    %mul3A = arith.constant 1 : i32
    %mul3A_0 = arith.muli %arg1, %mul3A : i32
    %add3A = arith.constant 0 : i32
    %add3A_1 = arith.addi %add3A, %mul3A_0 : i32
    %mul3A_2 = arith.constant 16 : i32
    %mul3A_3 = arith.muli %arg0, %mul3A_2 : i32
    %add3A_4 = arith.addi %add3A_1, %mul3A_3 : i32
    %mul3A_5 = arith.constant 1 : i32
    %mul3A_6 = arith.muli %add3A_4, %mul3A_5 : i32
    "tpu.region"() ({
      %run_scoped3A = memref.alloca() : memref<2x1x256xi32, #tpu.memory_space<vmem>>
      %run_scoped3A_7 = tpu.sem_alloc : memref<2x!tpu.dma_semaphore, #tpu.memory_space<semaphore_mem>>
      %run_scoped3A_8 = memref.alloca() : memref<2x256x128xf32, #tpu.memory_space<vmem>>
      %run_scoped3A_9 = tpu.sem_alloc : memref<2x!tpu.dma_semaphore, #tpu.memory_space<semaphore_mem>>
      %add3A_10 = arith.constant 0 : i32
      %add3A_11 = arith.addi %add3A_10, %mul3A_6 : i32
      %select_n3A = arith.constant true
      %select_n3A_12 = arith.constant 0 : i32
      %select_n3A_13 = arith.constant -1 : i32
      %select_n3A_14 = arith.select %select_n3A, %select_n3A_13, %select_n3A_12 : i32
      %eq3A = arith.constant -1 : i32
      %eq3A_15 = arith.cmpi eq, %select_n3A_14, %eq3A : i32
      %select_n3A_16 = arith.constant 0 : i32
      %select_n3A_17 = arith.select %eq3A_15, %select_n3A_16, %select_n3A_14 : i32
      %add3A_18 = arith.constant 0 : i32
      %add3A_19 = arith.addi %add3A_18, %mul3A_6 : i32
      %select_n3A_20 = arith.constant true
      %select_n3A_21 = arith.constant 0 : i32
      %select_n3A_22 = arith.constant 1 : i32
      %select_n3A_23 = arith.select %select_n3A_20, %select_n3A_22, %select_n3A_21 : i32
      %eq3A_24 = arith.constant 1 : i32
      %eq3A_25 = arith.cmpi eq, %select_n3A_23, %eq3A_24 : i32
      %select_n3A_26 = arith.constant 0 : i32
      %select_n3A_27 = arith.select %eq3A_25, %select_n3A_26, %select_n3A_23 : i32
      %add3A_28 = arith.constant 0 : i32
      %add3A_29 = arith.addi %add3A_28, %mul3A_6 : i32
      %select_n3A_30 = arith.constant true
      %select_n3A_31 = arith.constant 0 : i32
      %select_n3A_32 = arith.constant 1 : i32
      %select_n3A_33 = arith.select %select_n3A_30, %select_n3A_32, %select_n3A_31 : i32
      %eq3A_34 = arith.constant 1 : i32
      %eq3A_35 = arith.cmpi eq, %select_n3A_33, %eq3A_34 : i32
      %select_n3A_36 = arith.constant 0 : i32
      %select_n3A_37 = arith.select %eq3A_35, %select_n3A_36, %select_n3A_33 : i32
      %add3A_38 = arith.constant 0 : i32
      %add3A_39 = arith.addi %add3A_38, %mul3A_6 : i32
      "tpu.trace_start"() <{level = 10 : i32, message = "ep_initialize_0"}> : () -> ()
      %rem3A = arith.constant 0 : i32
      %rem3A_40 = arith.constant 2 : i32
      %rem3A_41 = arith.remui %rem3A, %rem3A_40 : i32
      %mul3A_42 = arith.constant 256 : i32
      %mul3A_43 = arith.muli %mul3A_42, %add3A_11 : i32
      %dma_start3A = arith.constant 0 : i32
      %dma_start3A_44 = arith.constant 0 : i32
      %dma_start3A_45 = tpu.memref_slice %run_scoped3A[%rem3A_41, %dma_start3A, %dma_start3A_44] : memref<2x1x256xi32, #tpu.memory_space<vmem>> -> memref<1x1x256xi32, #tpu.memory_space<vmem>>
      %dma_start3A_46 = tpu.memref_squeeze %dma_start3A_45 : memref<1x1x256xi32, #tpu.memory_space<vmem>> -> memref<1x256xi32, #tpu.memory_space<vmem>>
      %dma_start3A_47 = arith.constant 0 : i32
      %dma_start3A_48 = tpu.memref_slice %arg3[%dma_start3A_47, %mul3A_43] : memref<1x8192xi32, #tpu.memory_space<hbm>> -> memref<1x256xi32, #tpu.memory_space<hbm>>
      %dma_start3A_49 = tpu.memref_slice %run_scoped3A_7[%rem3A_41] : memref<2x!tpu.dma_semaphore, #tpu.memory_space<semaphore_mem>> -> memref<1x!tpu.dma_semaphore, #tpu.memory_space<semaphore_mem>>
      %dma_start3A_50 = tpu.memref_squeeze %dma_start3A_49 : memref<1x!tpu.dma_semaphore, #tpu.memory_space<semaphore_mem>> -> memref<!tpu.dma_semaphore, #tpu.memory_space<semaphore_mem>>
      %dma_start3A_51 = arith.constant 0 : i32
      %dma_start3A_52 = arith.constant 0 : i32
      %dma_start3A_53 = tpu.memref_slice %run_scoped3A[%rem3A_41, %dma_start3A_51, %dma_start3A_52] : memref<2x1x256xi32, #tpu.memory_space<vmem>> -> memref<1x1x256xi32, #tpu.memory_space<vmem>>
      %dma_start3A_54 = tpu.memref_squeeze %dma_start3A_53 : memref<1x1x256xi32, #tpu.memory_space<vmem>> -> memref<1x256xi32, #tpu.memory_space<vmem>>
      %dma_start3A_55 = arith.constant 0 : i32
      %dma_start3A_56 = tpu.memref_slice %arg3[%dma_start3A_55, %mul3A_43] : memref<1x8192xi32, #tpu.memory_space<hbm>> -> memref<1x256xi32, #tpu.memory_space<hbm>>
      tpu.enqueue_dma source(%dma_start3A_56 : memref<1x256xi32, #tpu.memory_space<hbm>>) target(%dma_start3A_54 : memref<1x256xi32, #tpu.memory_space<vmem>>) target_semaphore(%dma_start3A_50 : memref<!tpu.dma_semaphore, #tpu.memory_space<semaphore_mem>>)
      %add3A_57 = arith.constant 0 : i32
      %add3A_58 = arith.constant 1 : i32
      %add3A_59 = arith.addi %add3A_57, %add3A_58 : i32
      %select_n3A_60 = arith.constant true
      %select_n3A_61 = arith.constant 0 : i32
      %select_n3A_62 = arith.select %select_n3A_60, %add3A_59, %select_n3A_61 : i32
      "tpu.trace_stop"() : () -> ()
      %scan3A = arith.constant 0 : i32
      %scan3A_63 = arith.constant 0 : i32
      %scan3A_64 = arith.constant 0 : i32
      %scan3A_65 = arith.constant 0 : i32
      %scan3A_66 = arith.constant 0 : i32
      %eq3A_67 = arith.constant 0 : i32
      %eq3A_68 = arith.cmpi eq, %scan3A_66, %eq3A_67 : i32
      %eq3A_69 = arith.constant 0 : i32
      %eq3A_70 = arith.cmpi eq, %scan3A_66, %eq3A_69 : i32
      %add3A_71 = arith.constant 0 : i32
      %add3A_72 = arith.addi %add3A_71, %mul3A_6 : i32
      %select_n3A_73 = arith.constant true
      %select_n3A_74 = arith.constant 0 : i32
      %select_n3A_75 = arith.constant -1 : i32
      %select_n3A_76 = arith.select %select_n3A_73, %select_n3A_75, %select_n3A_74 : i32
      %eq3A_77 = arith.constant -1 : i32
      %eq3A_78 = arith.cmpi eq, %select_n3A_76, %eq3A_77 : i32
      %select_n3A_79 = arith.constant 0 : i32
      %select_n3A_80 = arith.select %eq3A_78, %select_n3A_79, %select_n3A_76 : i32
      %add3A_81 = arith.constant 0 : i32
      %add3A_82 = arith.addi %add3A_81, %mul3A_6 : i32
      %select_n3A_83 = arith.constant true
      %select_n3A_84 = arith.constant 0 : i32
      %select_n3A_85 = arith.constant 1 : i32
      %select_n3A_86 = arith.select %select_n3A_83, %select_n3A_85, %select_n3A_84 : i32
      %eq3A_87 = arith.constant 1 : i32
      %eq3A_88 = arith.cmpi eq, %select_n3A_86, %eq3A_87 : i32
      %select_n3A_89 = arith.constant 0 : i32
      %select_n3A_90 = arith.select %eq3A_88, %select_n3A_89, %select_n3A_86 : i32
      %add3A_91 = arith.constant 0 : i32
      %add3A_92 = arith.addi %add3A_91, %mul3A_6 : i32
      %select_n3A_93 = arith.constant true
      %select_n3A_94 = arith.constant 0 : i32
      %select_n3A_95 = arith.constant 1 : i32
      %select_n3A_96 = arith.select %select_n3A_93, %select_n3A_95, %select_n3A_94 : i32
      %eq3A_97 = arith.constant 1 : i32
      %eq3A_98 = arith.cmpi eq, %select_n3A_96, %eq3A_97 : i32
      %select_n3A_99 = arith.constant 0 : i32
      %select_n3A_100 = arith.select %eq3A_98, %select_n3A_99, %select_n3A_96 : i32
      %add3A_101 = arith.constant 0 : i32
      %add3A_102 = arith.addi %add3A_101, %mul3A_6 : i32
      %ne3A = arith.cmpi ne, %add3A_72, %add3A_92 : i32
      %or3A = arith.constant false
      %or3A_103 = arith.ori %or3A, %ne3A : i1
      %ge3A = arith.constant 0 : i32
      %ge3A_104 = arith.cmpi sge, %scan3A_66, %ge3A : i32
      %not3A = arith.constant true
      %not3A_105 = arith.xori %ge3A_104, %not3A : i1
      %and3A = arith.andi %or3A_103, %not3A_105 : i1
      %convert_element_type3A = arith.extui %and3A : i1 to i32
      %cond3A = arith.constant 0 : i32
      %cond3A_106 = arith.cmpi ne, %convert_element_type3A, %cond3A : i32
      scf.if %cond3A_106 {
        "tpu.trace_start"() <{level = 10 : i32, message = "ep_copy_in"}> : () -> ()
        %rem3A_266 = arith.constant 2 : i32
        %rem3A_267 = arith.remui %select_n3A_62, %rem3A_266 : i32
        %mul3A_268 = arith.constant 256 : i32
        %mul3A_269 = arith.muli %mul3A_268, %add3A_92 : i32
        %dma_start3A_270 = arith.constant 0 : i32
        %dma_start3A_271 = arith.constant 0 : i32
        %dma_start3A_272 = tpu.memref_slice %run_scoped3A[%rem3A_267, %dma_start3A_270, %dma_start3A_271] : memref<2x1x256xi32, #tpu.memory_space<vmem>> -> memref<1x1x256xi32, #tpu.memory_space<vmem>>
        %dma_start3A_273 = tpu.memref_squeeze %dma_start3A_272 : memref<1x1x256xi32, #tpu.memory_space<vmem>> -> memref<1x256xi32, #tpu.memory_space<vmem>>
        %dma_start3A_274 = arith.constant 0 : i32
        %dma_start3A_275 = tpu.memref_slice %arg3[%dma_start3A_274, %mul3A_269] : memref<1x8192xi32, #tpu.memory_space<hbm>> -> memref<1x256xi32, #tpu.memory_space<hbm>>
        %dma_start3A_276 = tpu.memref_slice %run_scoped3A_7[%rem3A_267] : memref<2x!tpu.dma_semaphore, #tpu.memory_space<semaphore_mem>> -> memref<1x!tpu.dma_semaphore, #tpu.memory_space<semaphore_mem>>
        %dma_start3A_277 = tpu.memref_squeeze %dma_start3A_276 : memref<1x!tpu.dma_semaphore, #tpu.memory_space<semaphore_mem>> -> memref<!tpu.dma_semaphore, #tpu.memory_space<semaphore_mem>>
        %dma_start3A_278 = arith.constant 0 : i32
        %dma_start3A_279 = arith.constant 0 : i32
        %dma_start3A_280 = tpu.memref_slice %run_scoped3A[%rem3A_267, %dma_start3A_278, %dma_start3A_279] : memref<2x1x256xi32, #tpu.memory_space<vmem>> -> memref<1x1x256xi32, #tpu.memory_space<vmem>>
        %dma_start3A_281 = tpu.memref_squeeze %dma_start3A_280 : memref<1x1x256xi32, #tpu.memory_space<vmem>> -> memref<1x256xi32, #tpu.memory_space<vmem>>
        %dma_start3A_282 = arith.constant 0 : i32
        %dma_start3A_283 = tpu.memref_slice %arg3[%dma_start3A_282, %mul3A_269] : memref<1x8192xi32, #tpu.memory_space<hbm>> -> memref<1x256xi32, #tpu.memory_space<hbm>>
        tpu.enqueue_dma source(%dma_start3A_283 : memref<1x256xi32, #tpu.memory_space<hbm>>) target(%dma_start3A_281 : memref<1x256xi32, #tpu.memory_space<vmem>>) target_semaphore(%dma_start3A_277 : memref<!tpu.dma_semaphore, #tpu.memory_space<semaphore_mem>>)
        "tpu.trace_stop"() : () -> ()
      } else {
      }
      %and3A_107 = arith.constant true
      %and3A_108 = arith.andi %and3A, %and3A_107 : i1
      %add3A_109 = arith.constant 1 : i32
      %add3A_110 = arith.addi %select_n3A_62, %add3A_109 : i32
      %select_n3A_111 = arith.select %and3A_108, %add3A_110, %select_n3A_62 : i32
      %ne3A_112 = arith.cmpi ne, %add3A_72, %add3A_92 : i32
      %or3A_113 = arith.constant false
      %or3A_114 = arith.ori %or3A_113, %ne3A_112 : i1
      %or3A_115 = arith.constant false
      %or3A_116 = arith.ori %or3A_114, %or3A_115 : i1
      %ge3A_117 = arith.constant 0 : i32
      %ge3A_118 = arith.cmpi sge, %scan3A_66, %ge3A_117 : i32
      %not3A_119 = arith.constant true
      %not3A_120 = arith.xori %ge3A_118, %not3A_119 : i1
      %and3A_121 = arith.andi %or3A_116, %not3A_120 : i1
      %ne3A_122 = arith.cmpi ne, %add3A_72, %add3A_82 : i32
      %or3A_123 = arith.constant false
      %or3A_124 = arith.ori %or3A_123, %ne3A_122 : i1
      %or3A_125 = arith.ori %or3A_124, %eq3A_68 : i1
      %convert_element_type3A_126 = arith.extui %or3A_125 : i1 to i32
      %cond3A_127 = arith.constant 0 : i32
      %cond3A_128 = arith.cmpi ne, %convert_element_type3A_126, %cond3A_127 : i32
      scf.if %cond3A_128 {
        "tpu.trace_start"() <{level = 10 : i32, message = "ep_wait_in"}> : () -> ()
        %mul3A_266 = arith.constant 256 : i32
        %mul3A_267 = arith.muli %mul3A_266, %add3A_72 : i32
        %rem3A_268 = arith.constant 2 : i32
        %rem3A_269 = arith.remui %scan3A, %rem3A_268 : i32
        %dma_wait3A_270 = arith.constant 0 : i32
        %dma_wait3A_271 = arith.constant 0 : i32
        %dma_wait3A_272 = tpu.memref_slice %run_scoped3A[%rem3A_269, %dma_wait3A_270, %dma_wait3A_271] : memref<2x1x256xi32, #tpu.memory_space<vmem>> -> memref<1x1x256xi32, #tpu.memory_space<vmem>>
        %dma_wait3A_273 = tpu.memref_squeeze %dma_wait3A_272 : memref<1x1x256xi32, #tpu.memory_space<vmem>> -> memref<1x256xi32, #tpu.memory_space<vmem>>
        %dma_wait3A_274 = arith.constant 0 : i32
        %dma_wait3A_275 = tpu.memref_slice %arg3[%dma_wait3A_274, %mul3A_267] : memref<1x8192xi32, #tpu.memory_space<hbm>> -> memref<1x256xi32, #tpu.memory_space<hbm>>
        %dma_wait3A_276 = tpu.memref_slice %run_scoped3A_7[%rem3A_269] : memref<2x!tpu.dma_semaphore, #tpu.memory_space<semaphore_mem>> -> memref<1x!tpu.dma_semaphore, #tpu.memory_space<semaphore_mem>>
        %dma_wait3A_277 = tpu.memref_squeeze %dma_wait3A_276 : memref<1x!tpu.dma_semaphore, #tpu.memory_space<semaphore_mem>> -> memref<!tpu.dma_semaphore, #tpu.memory_space<semaphore_mem>>
        %dma_wait3A_278 = arith.constant 0 : i32
        %dma_wait3A_279 = arith.constant 0 : i32
        %dma_wait3A_280 = tpu.memref_slice %run_scoped3A[%rem3A_269, %dma_wait3A_278, %dma_wait3A_279] : memref<2x1x256xi32, #tpu.memory_space<vmem>> -> memref<1x1x256xi32, #tpu.memory_space<vmem>>
        %dma_wait3A_281 = tpu.memref_squeeze %dma_wait3A_280 : memref<1x1x256xi32, #tpu.memory_space<vmem>> -> memref<1x256xi32, #tpu.memory_space<vmem>>
        %dma_wait3A_282 = arith.constant 0 : i32
        %dma_wait3A_283 = tpu.memref_slice %arg3[%dma_wait3A_282, %mul3A_267] : memref<1x8192xi32, #tpu.memory_space<hbm>> -> memref<1x256xi32, #tpu.memory_space<hbm>>
        tpu.wait_dma2 semaphore(%dma_wait3A_277 : memref<!tpu.dma_semaphore, #tpu.memory_space<semaphore_mem>>) src(%dma_wait3A_283 : memref<1x256xi32, #tpu.memory_space<hbm>>) dst(%dma_wait3A_281 : memref<1x256xi32, #tpu.memory_space<vmem>>)
        "tpu.trace_stop"() : () -> ()
      } else {
      }
      %ne3A_129 = arith.cmpi ne, %add3A_72, %add3A_82 : i32
      %or3A_130 = arith.constant false
      %or3A_131 = arith.ori %or3A_130, %ne3A_129 : i1
      %or3A_132 = arith.constant false
      %or3A_133 = arith.ori %or3A_131, %or3A_132 : i1
      %or3A_134 = arith.ori %or3A_133, %eq3A_68 : i1
      %convert_element_type3A_135 = arith.extui %or3A_134 : i1 to i32
      %cond3A_136 = arith.constant 0 : i32
      %cond3A_137 = arith.cmpi ne, %convert_element_type3A_135, %cond3A_136 : i32
      scf.if %cond3A_137 {
      } else {
      }
      %rem3A_138 = arith.constant 2 : i32
      %rem3A_139 = arith.remui %scan3A, %rem3A_138 : i32
      %rem3A_140 = arith.constant 2 : i32
      %rem3A_141 = arith.remui %scan3A_63, %rem3A_140 : i32
      %run_scoped3A_142 = arith.constant 0 : i32
      "tpu.trace_start"() <{level = 10 : i32, message = "ep_run_kernel"}> : () -> ()
      "tpu.region"() ({
        %run_scoped3A_266 = tpu.sem_alloc : memref<!tpu.dma_semaphore, #tpu.memory_space<semaphore_mem>>
        %dma_start3A_267 = arith.constant 0 : i32
        %dma_start3A_268 = arith.constant 0 : i32
        %dma_start3A_269 = tpu.memref_slice %run_scoped3A_8[%rem3A_141, %dma_start3A_267, %dma_start3A_268] : memref<2x256x128xf32, #tpu.memory_space<vmem>> -> memref<1x256x128xf32, #tpu.memory_space<vmem>>
        %dma_start3A_270 = tpu.memref_squeeze %dma_start3A_269 : memref<1x256x128xf32, #tpu.memory_space<vmem>> -> memref<256x128xf32, #tpu.memory_space<vmem>>
        %dma_start3A_271 = arith.constant 0 : i32
        %dma_start3A_272 = arith.constant 0 : i32
        %dma_start3A_273 = tpu.memref_slice %run_scoped3A[%rem3A_139, %dma_start3A_271, %dma_start3A_272] : memref<2x1x256xi32, #tpu.memory_space<vmem>> -> memref<1x1x256xi32, #tpu.memory_space<vmem>>
        %dma_start3A_274 = tpu.memref_squeeze %dma_start3A_273 : memref<1x1x256xi32, #tpu.memory_space<vmem>> -> memref<1x256xi32, #tpu.memory_space<vmem>>
        %dma_start3A_275 = arith.constant 0 : i32
        %dma_start3A_276 = tpu.memref_slice %dma_start3A_274[%run_scoped3A_142, %dma_start3A_275] : memref<1x256xi32, #tpu.memory_space<vmem>> -> memref<1x256xi32, #tpu.memory_space<vmem>>
        %dma_start3A_277 = tpu.memref_squeeze %dma_start3A_276 : memref<1x256xi32, #tpu.memory_space<vmem>> -> memref<256xi32, #tpu.memory_space<vmem>>
        %dma_start3A_278 = arith.constant 0 : i32
        %dma_start3A_279 = arith.constant 0 : i32
        %dma_start3A_280 = tpu.memref_slice %arg2[%dma_start3A_278, %dma_start3A_279] : memref<8x128xf32, #tpu.memory_space<hbm>> -> memref<8x128xf32, #tpu.memory_space<hbm>>
        tpu.enqueue_indirect_dma source(%dma_start3A_280 : memref<8x128xf32, #tpu.memory_space<hbm>>) target(%dma_start3A_270 : memref<256x128xf32, #tpu.memory_space<vmem>>) offsets(%dma_start3A_277 : memref<256xi32, #tpu.memory_space<vmem>>) semaphore(%run_scoped3A_266 : memref<!tpu.dma_semaphore, #tpu.memory_space<semaphore_mem>>)
        %dma_wait3A_281 = arith.constant 0 : i32
        %dma_wait3A_282 = arith.constant 0 : i32
        %dma_wait3A_283 = tpu.memref_slice %run_scoped3A_8[%rem3A_141, %dma_wait3A_281, %dma_wait3A_282] : memref<2x256x128xf32, #tpu.memory_space<vmem>> -> memref<1x256x128xf32, #tpu.memory_space<vmem>>
        %dma_wait3A_284 = tpu.memref_squeeze %dma_wait3A_283 : memref<1x256x128xf32, #tpu.memory_space<vmem>> -> memref<256x128xf32, #tpu.memory_space<vmem>>
        %dma_wait3A_285 = arith.constant 0 : i32
        %dma_wait3A_286 = arith.constant 0 : i32
        %dma_wait3A_287 = tpu.memref_slice %run_scoped3A[%rem3A_139, %dma_wait3A_285, %dma_wait3A_286] : memref<2x1x256xi32, #tpu.memory_space<vmem>> -> memref<1x1x256xi32, #tpu.memory_space<vmem>>
        %dma_wait3A_288 = tpu.memref_squeeze %dma_wait3A_287 : memref<1x1x256xi32, #tpu.memory_space<vmem>> -> memref<1x256xi32, #tpu.memory_space<vmem>>
        %dma_wait3A_289 = arith.constant 0 : i32
        %dma_wait3A_290 = tpu.memref_slice %dma_wait3A_288[%run_scoped3A_142, %dma_wait3A_289] : memref<1x256xi32, #tpu.memory_space<vmem>> -> memref<1x256xi32, #tpu.memory_space<vmem>>
        %dma_wait3A_291 = tpu.memref_squeeze %dma_wait3A_290 : memref<1x256xi32, #tpu.memory_space<vmem>> -> memref<256xi32, #tpu.memory_space<vmem>>
        %dma_wait3A_292 = arith.constant 0 : i32
        %dma_wait3A_293 = arith.constant 0 : i32
        %dma_wait3A_294 = tpu.memref_slice %arg2[%dma_wait3A_292, %dma_wait3A_293] : memref<8x128xf32, #tpu.memory_space<hbm>> -> memref<8x128xf32, #tpu.memory_space<hbm>>
        tpu.wait_indirect_dma semaphore(%run_scoped3A_266 : memref<!tpu.dma_semaphore, #tpu.memory_space<semaphore_mem>>) src(%dma_wait3A_294 : memref<8x128xf32, #tpu.memory_space<hbm>>) dst(%dma_wait3A_284 : memref<256x128xf32, #tpu.memory_space<vmem>>)
        tpu.yield
      }) : () -> ()
      "tpu.trace_stop"() : () -> ()
      %ne3A_143 = arith.cmpi ne, %add3A_72, %add3A_92 : i32
      %or3A_144 = arith.constant false
      %or3A_145 = arith.ori %or3A_144, %ne3A_143 : i1
      %or3A_146 = arith.ori %or3A_145, %eq3A_70 : i1
      %convert_element_type3A_147 = arith.extui %or3A_146 : i1 to i32
      %cond3A_148 = arith.constant 0 : i32
      %cond3A_149 = arith.cmpi ne, %convert_element_type3A_147, %cond3A_148 : i32
      scf.if %cond3A_149 {
      } else {
      }
      %and3A_150 = arith.constant false
      %and3A_151 = arith.andi %or3A_146, %and3A_150 : i1
      %ne3A_152 = arith.cmpi ne, %add3A_72, %add3A_92 : i32
      %or3A_153 = arith.constant false
      %or3A_154 = arith.ori %or3A_153, %ne3A_152 : i1
      %or3A_155 = arith.constant false
      %or3A_156 = arith.ori %or3A_154, %or3A_155 : i1
      %or3A_157 = arith.ori %or3A_156, %eq3A_70 : i1
      %convert_element_type3A_158 = arith.extui %or3A_157 : i1 to i32
      %cond3A_159 = arith.constant 0 : i32
      %cond3A_160 = arith.cmpi ne, %convert_element_type3A_158, %cond3A_159 : i32
      scf.if %cond3A_160 {
        "tpu.trace_start"() <{level = 10 : i32, message = "ep_copy_out"}> : () -> ()
        %rem3A_266 = arith.constant 2 : i32
        %rem3A_267 = arith.remui %scan3A_63, %rem3A_266 : i32
        %mul3A_268 = arith.constant 256 : i32
        %mul3A_269 = arith.muli %mul3A_268, %add3A_72 : i32
        %dma_start3A_270 = arith.constant 0 : i32
        %dma_start3A_271 = arith.constant 0 : i32
        %dma_start3A_272 = tpu.memref_slice %run_scoped3A_8[%rem3A_267, %dma_start3A_270, %dma_start3A_271] : memref<2x256x128xf32, #tpu.memory_space<vmem>> -> memref<1x256x128xf32, #tpu.memory_space<vmem>>
        %dma_start3A_273 = tpu.memref_squeeze %dma_start3A_272 : memref<1x256x128xf32, #tpu.memory_space<vmem>> -> memref<256x128xf32, #tpu.memory_space<vmem>>
        %dma_start3A_274 = arith.constant 0 : i32
        %dma_start3A_275 = tpu.memref_slice %arg4[%mul3A_269, %dma_start3A_274] : memref<8192x128xf32, #tpu.memory_space<hbm>> -> memref<256x128xf32, #tpu.memory_space<hbm>>
        %dma_start3A_276 = tpu.memref_slice %run_scoped3A_9[%rem3A_267] : memref<2x!tpu.dma_semaphore, #tpu.memory_space<semaphore_mem>> -> memref<1x!tpu.dma_semaphore, #tpu.memory_space<semaphore_mem>>
        %dma_start3A_277 = tpu.memref_squeeze %dma_start3A_276 : memref<1x!tpu.dma_semaphore, #tpu.memory_space<semaphore_mem>> -> memref<!tpu.dma_semaphore, #tpu.memory_space<semaphore_mem>>
        %dma_start3A_278 = arith.constant 0 : i32
        %dma_start3A_279 = tpu.memref_slice %arg4[%mul3A_269, %dma_start3A_278] : memref<8192x128xf32, #tpu.memory_space<hbm>> -> memref<256x128xf32, #tpu.memory_space<hbm>>
        %dma_start3A_280 = arith.constant 0 : i32
        %dma_start3A_281 = arith.constant 0 : i32
        %dma_start3A_282 = tpu.memref_slice %run_scoped3A_8[%rem3A_267, %dma_start3A_280, %dma_start3A_281] : memref<2x256x128xf32, #tpu.memory_space<vmem>> -> memref<1x256x128xf32, #tpu.memory_space<vmem>>
        %dma_start3A_283 = tpu.memref_squeeze %dma_start3A_282 : memref<1x256x128xf32, #tpu.memory_space<vmem>> -> memref<256x128xf32, #tpu.memory_space<vmem>>
        tpu.enqueue_dma source(%dma_start3A_283 : memref<256x128xf32, #tpu.memory_space<vmem>>) target(%dma_start3A_279 : memref<256x128xf32, #tpu.memory_space<hbm>>) target_semaphore(%dma_start3A_277 : memref<!tpu.dma_semaphore, #tpu.memory_space<semaphore_mem>>)
        "tpu.trace_stop"() : () -> ()
      } else {
      }
      %and3A_161 = arith.constant true
      %and3A_162 = arith.andi %or3A_157, %and3A_161 : i1
      %add3A_163 = arith.constant 1 : i32
      %add3A_164 = arith.addi %scan3A_63, %add3A_163 : i32
      %select_n3A_165 = arith.select %and3A_162, %add3A_164, %scan3A_63 : i32
      %ne3A_166 = arith.cmpi ne, %add3A_72, %add3A_82 : i32
      %or3A_167 = arith.constant false
      %or3A_168 = arith.ori %or3A_167, %ne3A_166 : i1
      %not3A_169 = arith.constant true
      %not3A_170 = arith.xori %eq3A_68, %not3A_169 : i1
      %and3A_171 = arith.andi %or3A_168, %not3A_170 : i1
      %convert_element_type3A_172 = arith.extui %and3A_171 : i1 to i32
      %cond3A_173 = arith.constant 0 : i32
      %cond3A_174 = arith.cmpi ne, %convert_element_type3A_172, %cond3A_173 : i32
      scf.if %cond3A_174 {
      } else {
      }
      %and3A_175 = arith.constant false
      %and3A_176 = arith.andi %and3A_171, %and3A_175 : i1
      %ne3A_177 = arith.cmpi ne, %add3A_72, %add3A_82 : i32
      %or3A_178 = arith.constant false
      %or3A_179 = arith.ori %or3A_178, %ne3A_177 : i1
      %or3A_180 = arith.constant false
      %or3A_181 = arith.ori %or3A_179, %or3A_180 : i1
      %not3A_182 = arith.constant true
      %not3A_183 = arith.xori %eq3A_68, %not3A_182 : i1
      %and3A_184 = arith.andi %or3A_181, %not3A_183 : i1
      %convert_element_type3A_185 = arith.extui %and3A_184 : i1 to i32
      %cond3A_186 = arith.constant 0 : i32
      %cond3A_187 = arith.cmpi ne, %convert_element_type3A_185, %cond3A_186 : i32
      scf.if %cond3A_187 {
        "tpu.trace_start"() <{level = 10 : i32, message = "ep_wait_out"}> : () -> ()
        %rem3A_266 = arith.constant 2 : i32
        %rem3A_267 = arith.remui %scan3A_64, %rem3A_266 : i32
        %mul3A_268 = arith.constant 256 : i32
        %mul3A_269 = arith.muli %mul3A_268, %add3A_82 : i32
        %dma_wait3A_270 = arith.constant 0 : i32
        %dma_wait3A_271 = arith.constant 0 : i32
        %dma_wait3A_272 = tpu.memref_slice %run_scoped3A_8[%rem3A_267, %dma_wait3A_270, %dma_wait3A_271] : memref<2x256x128xf32, #tpu.memory_space<vmem>> -> memref<1x256x128xf32, #tpu.memory_space<vmem>>
        %dma_wait3A_273 = tpu.memref_squeeze %dma_wait3A_272 : memref<1x256x128xf32, #tpu.memory_space<vmem>> -> memref<256x128xf32, #tpu.memory_space<vmem>>
        %dma_wait3A_274 = arith.constant 0 : i32
        %dma_wait3A_275 = tpu.memref_slice %arg4[%mul3A_269, %dma_wait3A_274] : memref<8192x128xf32, #tpu.memory_space<hbm>> -> memref<256x128xf32, #tpu.memory_space<hbm>>
        %dma_wait3A_276 = tpu.memref_slice %run_scoped3A_9[%rem3A_267] : memref<2x!tpu.dma_semaphore, #tpu.memory_space<semaphore_mem>> -> memref<1x!tpu.dma_semaphore, #tpu.memory_space<semaphore_mem>>
        %dma_wait3A_277 = tpu.memref_squeeze %dma_wait3A_276 : memref<1x!tpu.dma_semaphore, #tpu.memory_space<semaphore_mem>> -> memref<!tpu.dma_semaphore, #tpu.memory_space<semaphore_mem>>
        %dma_wait3A_278 = arith.constant 0 : i32
        %dma_wait3A_279 = tpu.memref_slice %arg4[%mul3A_269, %dma_wait3A_278] : memref<8192x128xf32, #tpu.memory_space<hbm>> -> memref<256x128xf32, #tpu.memory_space<hbm>>
        %dma_wait3A_280 = arith.constant 0 : i32
        %dma_wait3A_281 = arith.constant 0 : i32
        %dma_wait3A_282 = tpu.memref_slice %run_scoped3A_8[%rem3A_267, %dma_wait3A_280, %dma_wait3A_281] : memref<2x256x128xf32, #tpu.memory_space<vmem>> -> memref<1x256x128xf32, #tpu.memory_space<vmem>>
        %dma_wait3A_283 = tpu.memref_squeeze %dma_wait3A_282 : memref<1x256x128xf32, #tpu.memory_space<vmem>> -> memref<256x128xf32, #tpu.memory_space<vmem>>
        tpu.wait_dma2 semaphore(%dma_wait3A_277 : memref<!tpu.dma_semaphore, #tpu.memory_space<semaphore_mem>>) src(%dma_wait3A_283 : memref<256x128xf32, #tpu.memory_space<vmem>>) dst(%dma_wait3A_279 : memref<256x128xf32, #tpu.memory_space<hbm>>)
        "tpu.trace_stop"() : () -> ()
      } else {
      }
      %and3A_188 = arith.constant true
      %and3A_189 = arith.andi %and3A_184, %and3A_188 : i1
      %add3A_190 = arith.constant 1 : i32
      %add3A_191 = arith.addi %scan3A_64, %add3A_190 : i32
      %select_n3A_192 = arith.select %and3A_189, %add3A_191, %scan3A_64 : i32
      %ne3A_193 = arith.cmpi ne, %add3A_72, %add3A_92 : i32
      %or3A_194 = arith.constant false
      %or3A_195 = arith.ori %or3A_194, %ne3A_193 : i1
      %or3A_196 = arith.ori %or3A_195, %eq3A_70 : i1
      %add3A_197 = arith.constant 1 : i32
      %add3A_198 = arith.addi %scan3A, %add3A_197 : i32
      %select_n3A_199 = arith.select %or3A_196, %add3A_198, %scan3A : i32
      %select_n3A_200 = arith.constant true
      %select_n3A_201 = arith.constant 0 : i32
      %select_n3A_202 = arith.constant 1 : i32
      %select_n3A_203 = arith.select %select_n3A_200, %select_n3A_202, %select_n3A_201 : i32
      %eq3A_204 = arith.constant 1 : i32
      %eq3A_205 = arith.cmpi eq, %select_n3A_203, %eq3A_204 : i32
      %select_n3A_206 = arith.constant 0 : i32
      %select_n3A_207 = arith.select %eq3A_205, %select_n3A_206, %select_n3A_203 : i32
      %scan3A_208 = arith.constant 0 : i32
      %scan3A_209 = arith.constant 1 : i32
      %sub3A = arith.constant 1 : i32
      %sub3A_210 = arith.subi %scan3A_208, %sub3A : i32
      %select_n3A_211 = arith.constant true
      %select_n3A_212 = arith.select %select_n3A_211, %sub3A_210, %scan3A_208 : i32
      %eq3A_213 = arith.constant -1 : i32
      %eq3A_214 = arith.cmpi eq, %select_n3A_212, %eq3A_213 : i32
      %select_n3A_215 = arith.constant 0 : i32
      %select_n3A_216 = arith.select %eq3A_214, %select_n3A_215, %select_n3A_212 : i32
      %add3A_217 = arith.constant 0 : i32
      %add3A_218 = arith.addi %add3A_217, %mul3A_6 : i32
      %select_n3A_219 = arith.constant true
      %select_n3A_220 = arith.constant 0 : i32
      %select_n3A_221 = arith.constant -1 : i32
      %select_n3A_222 = arith.select %select_n3A_219, %select_n3A_221, %select_n3A_220 : i32
      %eq3A_223 = arith.constant -1 : i32
      %eq3A_224 = arith.cmpi eq, %select_n3A_222, %eq3A_223 : i32
      %select_n3A_225 = arith.constant 0 : i32
      %select_n3A_226 = arith.select %eq3A_224, %select_n3A_225, %select_n3A_222 : i32
      %add3A_227 = arith.constant 0 : i32
      %add3A_228 = arith.addi %add3A_227, %mul3A_6 : i32
      %select_n3A_229 = arith.constant true
      %select_n3A_230 = arith.constant 0 : i32
      %select_n3A_231 = arith.constant 1 : i32
      %select_n3A_232 = arith.select %select_n3A_229, %select_n3A_231, %select_n3A_230 : i32
      %eq3A_233 = arith.constant 1 : i32
      %eq3A_234 = arith.cmpi eq, %select_n3A_232, %eq3A_233 : i32
      %select_n3A_235 = arith.constant 0 : i32
      %select_n3A_236 = arith.select %eq3A_234, %select_n3A_235, %select_n3A_232 : i32
      %add3A_237 = arith.constant 0 : i32
      %add3A_238 = arith.addi %add3A_237, %mul3A_6 : i32
      %select_n3A_239 = arith.constant true
      %select_n3A_240 = arith.constant 0 : i32
      %select_n3A_241 = arith.constant 1 : i32
      %select_n3A_242 = arith.select %select_n3A_239, %select_n3A_241, %select_n3A_240 : i32
      %eq3A_243 = arith.constant 1 : i32
      %eq3A_244 = arith.cmpi eq, %select_n3A_242, %eq3A_243 : i32
      %select_n3A_245 = arith.constant 0 : i32
      %select_n3A_246 = arith.select %eq3A_244, %select_n3A_245, %select_n3A_242 : i32
      %add3A_247 = arith.constant 0 : i32
      %add3A_248 = arith.addi %add3A_247, %mul3A_6 : i32
      "tpu.trace_start"() <{level = 10 : i32, message = "ep_finalize"}> : () -> ()
      %rem3A_249 = arith.constant 2 : i32
      %rem3A_250 = arith.remui %select_n3A_192, %rem3A_249 : i32
      %mul3A_251 = arith.constant 256 : i32
      %mul3A_252 = arith.muli %mul3A_251, %add3A_218 : i32
      %dma_wait3A = arith.constant 0 : i32
      %dma_wait3A_253 = arith.constant 0 : i32
      %dma_wait3A_254 = tpu.memref_slice %run_scoped3A_8[%rem3A_250, %dma_wait3A, %dma_wait3A_253] : memref<2x256x128xf32, #tpu.memory_space<vmem>> -> memref<1x256x128xf32, #tpu.memory_space<vmem>>
      %dma_wait3A_255 = tpu.memref_squeeze %dma_wait3A_254 : memref<1x256x128xf32, #tpu.memory_space<vmem>> -> memref<256x128xf32, #tpu.memory_space<vmem>>
      %dma_wait3A_256 = arith.constant 0 : i32
      %dma_wait3A_257 = tpu.memref_slice %arg4[%mul3A_252, %dma_wait3A_256] : memref<8192x128xf32, #tpu.memory_space<hbm>> -> memref<256x128xf32, #tpu.memory_space<hbm>>
      %dma_wait3A_258 = tpu.memref_slice %run_scoped3A_9[%rem3A_250] : memref<2x!tpu.dma_semaphore, #tpu.memory_space<semaphore_mem>> -> memref<1x!tpu.dma_semaphore, #tpu.memory_space<semaphore_mem>>
      %dma_wait3A_259 = tpu.memref_squeeze %dma_wait3A_258 : memref<1x!tpu.dma_semaphore, #tpu.memory_space<semaphore_mem>> -> memref<!tpu.dma_semaphore, #tpu.memory_space<semaphore_mem>>
      %dma_wait3A_260 = arith.constant 0 : i32
      %dma_wait3A_261 = tpu.memref_slice %arg4[%mul3A_252, %dma_wait3A_260] : memref<8192x128xf32, #tpu.memory_space<hbm>> -> memref<256x128xf32, #tpu.memory_space<hbm>>
      %dma_wait3A_262 = arith.constant 0 : i32
      %dma_wait3A_263 = arith.constant 0 : i32
      %dma_wait3A_264 = tpu.memref_slice %run_scoped3A_8[%rem3A_250, %dma_wait3A_262, %dma_wait3A_263] : memref<2x256x128xf32, #tpu.memory_space<vmem>> -> memref<1x256x128xf32, #tpu.memory_space<vmem>>
      %dma_wait3A_265 = tpu.memref_squeeze %dma_wait3A_264 : memref<1x256x128xf32, #tpu.memory_space<vmem>> -> memref<256x128xf32, #tpu.memory_space<vmem>>
      tpu.wait_dma2 semaphore(%dma_wait3A_259 : memref<!tpu.dma_semaphore, #tpu.memory_space<semaphore_mem>>) src(%dma_wait3A_265 : memref<256x128xf32, #tpu.memory_space<vmem>>) dst(%dma_wait3A_261 : memref<256x128xf32, #tpu.memory_space<hbm>>)
      "tpu.trace_stop"() : () -> ()
      tpu.yield
    }) : () -> ()
    return
  }
}

module attributes {stable_mosaic.version = 14 : i64} {
  func.func @_sf_kernel(%arg0: i32, %arg1: memref<3x2048xf32, #tpu.memory_space<vmem>>, %arg2: memref<1x2048xf32, #tpu.memory_space<vmem>>, %arg3: memref<1x2048xi32, #tpu.memory_space<vmem>>, %arg4: memref<8x1x128xf32, #tpu.memory_space<vmem>>, %arg5: memref<192x576xf32, #tpu.memory_space<vmem>>, %arg6: memref<192x576xf32, #tpu.memory_space<vmem>>, %arg7: memref<8x1x1xf32, #tpu.memory_space<vmem>>) attributes {dimension_semantics = [#tpu.dimension_semantics<arbitrary>], iteration_bounds = array<i64: 4>, scalar_prefetch = 0 : i64, scratch_operands = 0 : i64, tpu.core_type = #tpu.core_type<tc>, window_params = [{transform_indices = @transform_0, window_bounds = array<i64: 3, 2048>}, {transform_indices = @transform_1, window_bounds = array<i64: 1, 2048>}, {transform_indices = @transform_2, window_bounds = array<i64: 1, 2048>}, {pipeline_mode = #tpu.pipeline_mode<synchronous>, transform_indices = @transform_3, window_bounds = array<i64: 8, 1, 128>}, {pipeline_mode = #tpu.pipeline_mode<synchronous>, transform_indices = @transform_4, window_bounds = array<i64: 192, 576>}, {pipeline_mode = #tpu.pipeline_mode<synchronous>, transform_indices = @transform_5, window_bounds = array<i64: 192, 576>}, {pipeline_mode = #tpu.pipeline_mode<synchronous>, transform_indices = @transform_6, window_bounds = array<i64: 8, 1, 1>}]} {
    %get3A = arith.constant 0 : index
    %get3A_0 = arith.constant 0 : index
    %get3A_1 = vector.load %arg1[%get3A, %get3A_0] : memref<3x2048xf32, #tpu.memory_space<vmem>>, vector<3x2048xf32>
    %get3A_2 = arith.constant 0 : index
    %get3A_3 = arith.constant 0 : index
    %get3A_4 = vector.load %arg2[%get3A_2, %get3A_3] : memref<1x2048xf32, #tpu.memory_space<vmem>>, vector<1x2048xf32>
    %get3A_5 = arith.constant 0 : index
    %get3A_6 = arith.constant 0 : index
    %get3A_7 = vector.load %arg3[%get3A_5, %get3A_6] : memref<1x2048xi32, #tpu.memory_space<vmem>>, vector<1x2048xi32>
    %broadcast_in_dim3A = arith.constant 0.000000e+00 : f32
    %broadcast_in_dim3A_8 = vector.broadcast %broadcast_in_dim3A : f32 to vector<1x2048xf32>
    %get3A_9 = arith.constant 0 : index
    %get3A_10 = arith.constant 0 : index
    %get3A_11 = arith.constant 0 : index
    %get3A_12 = vector.load %arg4[%get3A_9, %get3A_10, %get3A_11] : memref<8x1x128xf32, #tpu.memory_space<vmem>>, vector<1x1x1xf32>
    %get3A_13 = vector.extract %get3A_12[0, 0, 0] : f32 from vector<1x1x1xf32>
    %slice3A = vector.extract_strided_slice %get3A_1 {offsets = [0, 0], sizes = [1, 2048], strides = [1, 1]} : vector<3x2048xf32> to vector<1x2048xf32>
    %mul3A = vector.broadcast %get3A_13 : f32 to vector<1x2048xf32>
    %mul3A_14 = arith.mulf %mul3A, %slice3A : vector<1x2048xf32>
    %get3A_15 = arith.constant 0 : index
    %get3A_16 = arith.constant 0 : index
    %get3A_17 = arith.constant 1 : index
    %get3A_18 = vector.load %arg4[%get3A_15, %get3A_16, %get3A_17] : memref<8x1x128xf32, #tpu.memory_space<vmem>>, vector<1x1x1xf32>
    %get3A_19 = vector.extract %get3A_18[0, 0, 0] : f32 from vector<1x1x1xf32>
    %slice3A_20 = vector.extract_strided_slice %get3A_1 {offsets = [1, 0], sizes = [1, 2048], strides = [1, 1]} : vector<3x2048xf32> to vector<1x2048xf32>
    %mul3A_21 = vector.broadcast %get3A_19 : f32 to vector<1x2048xf32>
    %mul3A_22 = arith.mulf %mul3A_21, %slice3A_20 : vector<1x2048xf32>
    %add3A = arith.addf %mul3A_14, %mul3A_22 : vector<1x2048xf32>
    %get3A_23 = arith.constant 0 : index
    %get3A_24 = arith.constant 0 : index
    %get3A_25 = arith.constant 2 : index
    %get3A_26 = vector.load %arg4[%get3A_23, %get3A_24, %get3A_25] : memref<8x1x128xf32, #tpu.memory_space<vmem>>, vector<1x1x1xf32>
    %get3A_27 = vector.extract %get3A_26[0, 0, 0] : f32 from vector<1x1x1xf32>
    %slice3A_28 = vector.extract_strided_slice %get3A_1 {offsets = [2, 0], sizes = [1, 2048], strides = [1, 1]} : vector<3x2048xf32> to vector<1x2048xf32>
    %mul3A_29 = vector.broadcast %get3A_27 : f32 to vector<1x2048xf32>
    %mul3A_30 = arith.mulf %mul3A_29, %slice3A_28 : vector<1x2048xf32>
    %add3A_31 = arith.addf %add3A, %mul3A_30 : vector<1x2048xf32>
    %eq3A = arith.constant 0 : i32
    %eq3A_32 = vector.broadcast %eq3A : i32 to vector<1x2048xi32>
    %eq3A_33 = arith.cmpi eq, %get3A_7, %eq3A_32 : vector<1x2048xi32>
    %jit3A = arith.constant 0.000000e+00 : f32
    %broadcast_in_dim3A_34 = vector.broadcast %jit3A : f32 to vector<1x2048xf32>
    %select_n3A = arith.select %eq3A_33, %add3A_31, %broadcast_in_dim3A_34 : vector<1x2048xi1>, vector<1x2048xf32>
    %add3A_35 = arith.addf %broadcast_in_dim3A_8, %select_n3A : vector<1x2048xf32>
    %get3A_36 = arith.constant 1 : index
    %get3A_37 = arith.constant 0 : index
    %get3A_38 = arith.constant 0 : index
    %get3A_39 = vector.load %arg4[%get3A_36, %get3A_37, %get3A_38] : memref<8x1x128xf32, #tpu.memory_space<vmem>>, vector<1x1x1xf32>
    %get3A_40 = vector.extract %get3A_39[0, 0, 0] : f32 from vector<1x1x1xf32>
    %slice3A_41 = vector.extract_strided_slice %get3A_1 {offsets = [0, 0], sizes = [1, 2048], strides = [1, 1]} : vector<3x2048xf32> to vector<1x2048xf32>
    %mul3A_42 = vector.broadcast %get3A_40 : f32 to vector<1x2048xf32>
    %mul3A_43 = arith.mulf %mul3A_42, %slice3A_41 : vector<1x2048xf32>
    %get3A_44 = arith.constant 1 : index
    %get3A_45 = arith.constant 0 : index
    %get3A_46 = arith.constant 1 : index
    %get3A_47 = vector.load %arg4[%get3A_44, %get3A_45, %get3A_46] : memref<8x1x128xf32, #tpu.memory_space<vmem>>, vector<1x1x1xf32>
    %get3A_48 = vector.extract %get3A_47[0, 0, 0] : f32 from vector<1x1x1xf32>
    %slice3A_49 = vector.extract_strided_slice %get3A_1 {offsets = [1, 0], sizes = [1, 2048], strides = [1, 1]} : vector<3x2048xf32> to vector<1x2048xf32>
    %mul3A_50 = vector.broadcast %get3A_48 : f32 to vector<1x2048xf32>
    %mul3A_51 = arith.mulf %mul3A_50, %slice3A_49 : vector<1x2048xf32>
    %add3A_52 = arith.addf %mul3A_43, %mul3A_51 : vector<1x2048xf32>
    %get3A_53 = arith.constant 1 : index
    %get3A_54 = arith.constant 0 : index
    %get3A_55 = arith.constant 2 : index
    %get3A_56 = vector.load %arg4[%get3A_53, %get3A_54, %get3A_55] : memref<8x1x128xf32, #tpu.memory_space<vmem>>, vector<1x1x1xf32>
    %get3A_57 = vector.extract %get3A_56[0, 0, 0] : f32 from vector<1x1x1xf32>
    %slice3A_58 = vector.extract_strided_slice %get3A_1 {offsets = [2, 0], sizes = [1, 2048], strides = [1, 1]} : vector<3x2048xf32> to vector<1x2048xf32>
    %mul3A_59 = vector.broadcast %get3A_57 : f32 to vector<1x2048xf32>
    %mul3A_60 = arith.mulf %mul3A_59, %slice3A_58 : vector<1x2048xf32>
    %add3A_61 = arith.addf %add3A_52, %mul3A_60 : vector<1x2048xf32>
    %eq3A_62 = arith.constant 1 : i32
    %eq3A_63 = vector.broadcast %eq3A_62 : i32 to vector<1x2048xi32>
    %eq3A_64 = arith.cmpi eq, %get3A_7, %eq3A_63 : vector<1x2048xi32>
    %jit3A_65 = arith.constant 0.000000e+00 : f32
    %broadcast_in_dim3A_66 = vector.broadcast %jit3A_65 : f32 to vector<1x2048xf32>
    %select_n3A_67 = arith.select %eq3A_64, %add3A_61, %broadcast_in_dim3A_66 : vector<1x2048xi1>, vector<1x2048xf32>
    %add3A_68 = arith.addf %add3A_35, %select_n3A_67 : vector<1x2048xf32>
    %get3A_69 = arith.constant 2 : index
    %get3A_70 = arith.constant 0 : index
    %get3A_71 = arith.constant 0 : index
    %get3A_72 = vector.load %arg4[%get3A_69, %get3A_70, %get3A_71] : memref<8x1x128xf32, #tpu.memory_space<vmem>>, vector<1x1x1xf32>
    %get3A_73 = vector.extract %get3A_72[0, 0, 0] : f32 from vector<1x1x1xf32>
    %slice3A_74 = vector.extract_strided_slice %get3A_1 {offsets = [0, 0], sizes = [1, 2048], strides = [1, 1]} : vector<3x2048xf32> to vector<1x2048xf32>
    %mul3A_75 = vector.broadcast %get3A_73 : f32 to vector<1x2048xf32>
    %mul3A_76 = arith.mulf %mul3A_75, %slice3A_74 : vector<1x2048xf32>
    %get3A_77 = arith.constant 2 : index
    %get3A_78 = arith.constant 0 : index
    %get3A_79 = arith.constant 1 : index
    %get3A_80 = vector.load %arg4[%get3A_77, %get3A_78, %get3A_79] : memref<8x1x128xf32, #tpu.memory_space<vmem>>, vector<1x1x1xf32>
    %get3A_81 = vector.extract %get3A_80[0, 0, 0] : f32 from vector<1x1x1xf32>
    %slice3A_82 = vector.extract_strided_slice %get3A_1 {offsets = [1, 0], sizes = [1, 2048], strides = [1, 1]} : vector<3x2048xf32> to vector<1x2048xf32>
    %mul3A_83 = vector.broadcast %get3A_81 : f32 to vector<1x2048xf32>
    %mul3A_84 = arith.mulf %mul3A_83, %slice3A_82 : vector<1x2048xf32>
    %add3A_85 = arith.addf %mul3A_76, %mul3A_84 : vector<1x2048xf32>
    %get3A_86 = arith.constant 2 : index
    %get3A_87 = arith.constant 0 : index
    %get3A_88 = arith.constant 2 : index
    %get3A_89 = vector.load %arg4[%get3A_86, %get3A_87, %get3A_88] : memref<8x1x128xf32, #tpu.memory_space<vmem>>, vector<1x1x1xf32>
    %get3A_90 = vector.extract %get3A_89[0, 0, 0] : f32 from vector<1x1x1xf32>
    %slice3A_91 = vector.extract_strided_slice %get3A_1 {offsets = [2, 0], sizes = [1, 2048], strides = [1, 1]} : vector<3x2048xf32> to vector<1x2048xf32>
    %mul3A_92 = vector.broadcast %get3A_90 : f32 to vector<1x2048xf32>
    %mul3A_93 = arith.mulf %mul3A_92, %slice3A_91 : vector<1x2048xf32>
    %add3A_94 = arith.addf %add3A_85, %mul3A_93 : vector<1x2048xf32>
    %eq3A_95 = arith.constant 2 : i32
    %eq3A_96 = vector.broadcast %eq3A_95 : i32 to vector<1x2048xi32>
    %eq3A_97 = arith.cmpi eq, %get3A_7, %eq3A_96 : vector<1x2048xi32>
    %jit3A_98 = arith.constant 0.000000e+00 : f32
    %broadcast_in_dim3A_99 = vector.broadcast %jit3A_98 : f32 to vector<1x2048xf32>
    %select_n3A_100 = arith.select %eq3A_97, %add3A_94, %broadcast_in_dim3A_99 : vector<1x2048xi1>, vector<1x2048xf32>
    %add3A_101 = arith.addf %add3A_68, %select_n3A_100 : vector<1x2048xf32>
    %get3A_102 = arith.constant 3 : index
    %get3A_103 = arith.constant 0 : index
    %get3A_104 = arith.constant 0 : index
    %get3A_105 = vector.load %arg4[%get3A_102, %get3A_103, %get3A_104] : memref<8x1x128xf32, #tpu.memory_space<vmem>>, vector<1x1x1xf32>
    %get3A_106 = vector.extract %get3A_105[0, 0, 0] : f32 from vector<1x1x1xf32>
    %slice3A_107 = vector.extract_strided_slice %get3A_1 {offsets = [0, 0], sizes = [1, 2048], strides = [1, 1]} : vector<3x2048xf32> to vector<1x2048xf32>
    %mul3A_108 = vector.broadcast %get3A_106 : f32 to vector<1x2048xf32>
    %mul3A_109 = arith.mulf %mul3A_108, %slice3A_107 : vector<1x2048xf32>
    %get3A_110 = arith.constant 3 : index
    %get3A_111 = arith.constant 0 : index
    %get3A_112 = arith.constant 1 : index
    %get3A_113 = vector.load %arg4[%get3A_110, %get3A_111, %get3A_112] : memref<8x1x128xf32, #tpu.memory_space<vmem>>, vector<1x1x1xf32>
    %get3A_114 = vector.extract %get3A_113[0, 0, 0] : f32 from vector<1x1x1xf32>
    %slice3A_115 = vector.extract_strided_slice %get3A_1 {offsets = [1, 0], sizes = [1, 2048], strides = [1, 1]} : vector<3x2048xf32> to vector<1x2048xf32>
    %mul3A_116 = vector.broadcast %get3A_114 : f32 to vector<1x2048xf32>
    %mul3A_117 = arith.mulf %mul3A_116, %slice3A_115 : vector<1x2048xf32>
    %add3A_118 = arith.addf %mul3A_109, %mul3A_117 : vector<1x2048xf32>
    %get3A_119 = arith.constant 3 : index
    %get3A_120 = arith.constant 0 : index
    %get3A_121 = arith.constant 2 : index
    %get3A_122 = vector.load %arg4[%get3A_119, %get3A_120, %get3A_121] : memref<8x1x128xf32, #tpu.memory_space<vmem>>, vector<1x1x1xf32>
    %get3A_123 = vector.extract %get3A_122[0, 0, 0] : f32 from vector<1x1x1xf32>
    %slice3A_124 = vector.extract_strided_slice %get3A_1 {offsets = [2, 0], sizes = [1, 2048], strides = [1, 1]} : vector<3x2048xf32> to vector<1x2048xf32>
    %mul3A_125 = vector.broadcast %get3A_123 : f32 to vector<1x2048xf32>
    %mul3A_126 = arith.mulf %mul3A_125, %slice3A_124 : vector<1x2048xf32>
    %add3A_127 = arith.addf %add3A_118, %mul3A_126 : vector<1x2048xf32>
    %eq3A_128 = arith.constant 3 : i32
    %eq3A_129 = vector.broadcast %eq3A_128 : i32 to vector<1x2048xi32>
    %eq3A_130 = arith.cmpi eq, %get3A_7, %eq3A_129 : vector<1x2048xi32>
    %jit3A_131 = arith.constant 0.000000e+00 : f32
    %broadcast_in_dim3A_132 = vector.broadcast %jit3A_131 : f32 to vector<1x2048xf32>
    %select_n3A_133 = arith.select %eq3A_130, %add3A_127, %broadcast_in_dim3A_132 : vector<1x2048xi1>, vector<1x2048xf32>
    %add3A_134 = arith.addf %add3A_101, %select_n3A_133 : vector<1x2048xf32>
    %get3A_135 = arith.constant 4 : index
    %get3A_136 = arith.constant 0 : index
    %get3A_137 = arith.constant 0 : index
    %get3A_138 = vector.load %arg4[%get3A_135, %get3A_136, %get3A_137] : memref<8x1x128xf32, #tpu.memory_space<vmem>>, vector<1x1x1xf32>
    %get3A_139 = vector.extract %get3A_138[0, 0, 0] : f32 from vector<1x1x1xf32>
    %slice3A_140 = vector.extract_strided_slice %get3A_1 {offsets = [0, 0], sizes = [1, 2048], strides = [1, 1]} : vector<3x2048xf32> to vector<1x2048xf32>
    %mul3A_141 = vector.broadcast %get3A_139 : f32 to vector<1x2048xf32>
    %mul3A_142 = arith.mulf %mul3A_141, %slice3A_140 : vector<1x2048xf32>
    %get3A_143 = arith.constant 4 : index
    %get3A_144 = arith.constant 0 : index
    %get3A_145 = arith.constant 1 : index
    %get3A_146 = vector.load %arg4[%get3A_143, %get3A_144, %get3A_145] : memref<8x1x128xf32, #tpu.memory_space<vmem>>, vector<1x1x1xf32>
    %get3A_147 = vector.extract %get3A_146[0, 0, 0] : f32 from vector<1x1x1xf32>
    %slice3A_148 = vector.extract_strided_slice %get3A_1 {offsets = [1, 0], sizes = [1, 2048], strides = [1, 1]} : vector<3x2048xf32> to vector<1x2048xf32>
    %mul3A_149 = vector.broadcast %get3A_147 : f32 to vector<1x2048xf32>
    %mul3A_150 = arith.mulf %mul3A_149, %slice3A_148 : vector<1x2048xf32>
    %add3A_151 = arith.addf %mul3A_142, %mul3A_150 : vector<1x2048xf32>
    %get3A_152 = arith.constant 4 : index
    %get3A_153 = arith.constant 0 : index
    %get3A_154 = arith.constant 2 : index
    %get3A_155 = vector.load %arg4[%get3A_152, %get3A_153, %get3A_154] : memref<8x1x128xf32, #tpu.memory_space<vmem>>, vector<1x1x1xf32>
    %get3A_156 = vector.extract %get3A_155[0, 0, 0] : f32 from vector<1x1x1xf32>
    %slice3A_157 = vector.extract_strided_slice %get3A_1 {offsets = [2, 0], sizes = [1, 2048], strides = [1, 1]} : vector<3x2048xf32> to vector<1x2048xf32>
    %mul3A_158 = vector.broadcast %get3A_156 : f32 to vector<1x2048xf32>
    %mul3A_159 = arith.mulf %mul3A_158, %slice3A_157 : vector<1x2048xf32>
    %add3A_160 = arith.addf %add3A_151, %mul3A_159 : vector<1x2048xf32>
    %eq3A_161 = arith.constant 4 : i32
    %eq3A_162 = vector.broadcast %eq3A_161 : i32 to vector<1x2048xi32>
    %eq3A_163 = arith.cmpi eq, %get3A_7, %eq3A_162 : vector<1x2048xi32>
    %jit3A_164 = arith.constant 0.000000e+00 : f32
    %broadcast_in_dim3A_165 = vector.broadcast %jit3A_164 : f32 to vector<1x2048xf32>
    %select_n3A_166 = arith.select %eq3A_163, %add3A_160, %broadcast_in_dim3A_165 : vector<1x2048xi1>, vector<1x2048xf32>
    %add3A_167 = arith.addf %add3A_134, %select_n3A_166 : vector<1x2048xf32>
    %get3A_168 = arith.constant 5 : index
    %get3A_169 = arith.constant 0 : index
    %get3A_170 = arith.constant 0 : index
    %get3A_171 = vector.load %arg4[%get3A_168, %get3A_169, %get3A_170] : memref<8x1x128xf32, #tpu.memory_space<vmem>>, vector<1x1x1xf32>
    %get3A_172 = vector.extract %get3A_171[0, 0, 0] : f32 from vector<1x1x1xf32>
    %slice3A_173 = vector.extract_strided_slice %get3A_1 {offsets = [0, 0], sizes = [1, 2048], strides = [1, 1]} : vector<3x2048xf32> to vector<1x2048xf32>
    %mul3A_174 = vector.broadcast %get3A_172 : f32 to vector<1x2048xf32>
    %mul3A_175 = arith.mulf %mul3A_174, %slice3A_173 : vector<1x2048xf32>
    %get3A_176 = arith.constant 5 : index
    %get3A_177 = arith.constant 0 : index
    %get3A_178 = arith.constant 1 : index
    %get3A_179 = vector.load %arg4[%get3A_176, %get3A_177, %get3A_178] : memref<8x1x128xf32, #tpu.memory_space<vmem>>, vector<1x1x1xf32>
    %get3A_180 = vector.extract %get3A_179[0, 0, 0] : f32 from vector<1x1x1xf32>
    %slice3A_181 = vector.extract_strided_slice %get3A_1 {offsets = [1, 0], sizes = [1, 2048], strides = [1, 1]} : vector<3x2048xf32> to vector<1x2048xf32>
    %mul3A_182 = vector.broadcast %get3A_180 : f32 to vector<1x2048xf32>
    %mul3A_183 = arith.mulf %mul3A_182, %slice3A_181 : vector<1x2048xf32>
    %add3A_184 = arith.addf %mul3A_175, %mul3A_183 : vector<1x2048xf32>
    %get3A_185 = arith.constant 5 : index
    %get3A_186 = arith.constant 0 : index
    %get3A_187 = arith.constant 2 : index
    %get3A_188 = vector.load %arg4[%get3A_185, %get3A_186, %get3A_187] : memref<8x1x128xf32, #tpu.memory_space<vmem>>, vector<1x1x1xf32>
    %get3A_189 = vector.extract %get3A_188[0, 0, 0] : f32 from vector<1x1x1xf32>
    %slice3A_190 = vector.extract_strided_slice %get3A_1 {offsets = [2, 0], sizes = [1, 2048], strides = [1, 1]} : vector<3x2048xf32> to vector<1x2048xf32>
    %mul3A_191 = vector.broadcast %get3A_189 : f32 to vector<1x2048xf32>
    %mul3A_192 = arith.mulf %mul3A_191, %slice3A_190 : vector<1x2048xf32>
    %add3A_193 = arith.addf %add3A_184, %mul3A_192 : vector<1x2048xf32>
    %eq3A_194 = arith.constant 5 : i32
    %eq3A_195 = vector.broadcast %eq3A_194 : i32 to vector<1x2048xi32>
    %eq3A_196 = arith.cmpi eq, %get3A_7, %eq3A_195 : vector<1x2048xi32>
    %jit3A_197 = arith.constant 0.000000e+00 : f32
    %broadcast_in_dim3A_198 = vector.broadcast %jit3A_197 : f32 to vector<1x2048xf32>
    %select_n3A_199 = arith.select %eq3A_196, %add3A_193, %broadcast_in_dim3A_198 : vector<1x2048xi1>, vector<1x2048xf32>
    %add3A_200 = arith.addf %add3A_167, %select_n3A_199 : vector<1x2048xf32>
    %get3A_201 = arith.constant 6 : index
    %get3A_202 = arith.constant 0 : index
    %get3A_203 = arith.constant 0 : index
    %get3A_204 = vector.load %arg4[%get3A_201, %get3A_202, %get3A_203] : memref<8x1x128xf32, #tpu.memory_space<vmem>>, vector<1x1x1xf32>
    %get3A_205 = vector.extract %get3A_204[0, 0, 0] : f32 from vector<1x1x1xf32>
    %slice3A_206 = vector.extract_strided_slice %get3A_1 {offsets = [0, 0], sizes = [1, 2048], strides = [1, 1]} : vector<3x2048xf32> to vector<1x2048xf32>
    %mul3A_207 = vector.broadcast %get3A_205 : f32 to vector<1x2048xf32>
    %mul3A_208 = arith.mulf %mul3A_207, %slice3A_206 : vector<1x2048xf32>
    %get3A_209 = arith.constant 6 : index
    %get3A_210 = arith.constant 0 : index
    %get3A_211 = arith.constant 1 : index
    %get3A_212 = vector.load %arg4[%get3A_209, %get3A_210, %get3A_211] : memref<8x1x128xf32, #tpu.memory_space<vmem>>, vector<1x1x1xf32>
    %get3A_213 = vector.extract %get3A_212[0, 0, 0] : f32 from vector<1x1x1xf32>
    %slice3A_214 = vector.extract_strided_slice %get3A_1 {offsets = [1, 0], sizes = [1, 2048], strides = [1, 1]} : vector<3x2048xf32> to vector<1x2048xf32>
    %mul3A_215 = vector.broadcast %get3A_213 : f32 to vector<1x2048xf32>
    %mul3A_216 = arith.mulf %mul3A_215, %slice3A_214 : vector<1x2048xf32>
    %add3A_217 = arith.addf %mul3A_208, %mul3A_216 : vector<1x2048xf32>
    %get3A_218 = arith.constant 6 : index
    %get3A_219 = arith.constant 0 : index
    %get3A_220 = arith.constant 2 : index
    %get3A_221 = vector.load %arg4[%get3A_218, %get3A_219, %get3A_220] : memref<8x1x128xf32, #tpu.memory_space<vmem>>, vector<1x1x1xf32>
    %get3A_222 = vector.extract %get3A_221[0, 0, 0] : f32 from vector<1x1x1xf32>
    %slice3A_223 = vector.extract_strided_slice %get3A_1 {offsets = [2, 0], sizes = [1, 2048], strides = [1, 1]} : vector<3x2048xf32> to vector<1x2048xf32>
    %mul3A_224 = vector.broadcast %get3A_222 : f32 to vector<1x2048xf32>
    %mul3A_225 = arith.mulf %mul3A_224, %slice3A_223 : vector<1x2048xf32>
    %add3A_226 = arith.addf %add3A_217, %mul3A_225 : vector<1x2048xf32>
    %eq3A_227 = arith.constant 6 : i32
    %eq3A_228 = vector.broadcast %eq3A_227 : i32 to vector<1x2048xi32>
    %eq3A_229 = arith.cmpi eq, %get3A_7, %eq3A_228 : vector<1x2048xi32>
    %jit3A_230 = arith.constant 0.000000e+00 : f32
    %broadcast_in_dim3A_231 = vector.broadcast %jit3A_230 : f32 to vector<1x2048xf32>
    %select_n3A_232 = arith.select %eq3A_229, %add3A_226, %broadcast_in_dim3A_231 : vector<1x2048xi1>, vector<1x2048xf32>
    %add3A_233 = arith.addf %add3A_200, %select_n3A_232 : vector<1x2048xf32>
    %get3A_234 = arith.constant 7 : index
    %get3A_235 = arith.constant 0 : index
    %get3A_236 = arith.constant 0 : index
    %get3A_237 = vector.load %arg4[%get3A_234, %get3A_235, %get3A_236] : memref<8x1x128xf32, #tpu.memory_space<vmem>>, vector<1x1x1xf32>
    %get3A_238 = vector.extract %get3A_237[0, 0, 0] : f32 from vector<1x1x1xf32>
    %slice3A_239 = vector.extract_strided_slice %get3A_1 {offsets = [0, 0], sizes = [1, 2048], strides = [1, 1]} : vector<3x2048xf32> to vector<1x2048xf32>
    %mul3A_240 = vector.broadcast %get3A_238 : f32 to vector<1x2048xf32>
    %mul3A_241 = arith.mulf %mul3A_240, %slice3A_239 : vector<1x2048xf32>
    %get3A_242 = arith.constant 7 : index
    %get3A_243 = arith.constant 0 : index
    %get3A_244 = arith.constant 1 : index
    %get3A_245 = vector.load %arg4[%get3A_242, %get3A_243, %get3A_244] : memref<8x1x128xf32, #tpu.memory_space<vmem>>, vector<1x1x1xf32>
    %get3A_246 = vector.extract %get3A_245[0, 0, 0] : f32 from vector<1x1x1xf32>
    %slice3A_247 = vector.extract_strided_slice %get3A_1 {offsets = [1, 0], sizes = [1, 2048], strides = [1, 1]} : vector<3x2048xf32> to vector<1x2048xf32>
    %mul3A_248 = vector.broadcast %get3A_246 : f32 to vector<1x2048xf32>
    %mul3A_249 = arith.mulf %mul3A_248, %slice3A_247 : vector<1x2048xf32>
    %add3A_250 = arith.addf %mul3A_241, %mul3A_249 : vector<1x2048xf32>
    %get3A_251 = arith.constant 7 : index
    %get3A_252 = arith.constant 0 : index
    %get3A_253 = arith.constant 2 : index
    %get3A_254 = vector.load %arg4[%get3A_251, %get3A_252, %get3A_253] : memref<8x1x128xf32, #tpu.memory_space<vmem>>, vector<1x1x1xf32>
    %get3A_255 = vector.extract %get3A_254[0, 0, 0] : f32 from vector<1x1x1xf32>
    %slice3A_256 = vector.extract_strided_slice %get3A_1 {offsets = [2, 0], sizes = [1, 2048], strides = [1, 1]} : vector<3x2048xf32> to vector<1x2048xf32>
    %mul3A_257 = vector.broadcast %get3A_255 : f32 to vector<1x2048xf32>
    %mul3A_258 = arith.mulf %mul3A_257, %slice3A_256 : vector<1x2048xf32>
    %add3A_259 = arith.addf %add3A_250, %mul3A_258 : vector<1x2048xf32>
    %eq3A_260 = arith.constant 7 : i32
    %eq3A_261 = vector.broadcast %eq3A_260 : i32 to vector<1x2048xi32>
    %eq3A_262 = arith.cmpi eq, %get3A_7, %eq3A_261 : vector<1x2048xi32>
    %jit3A_263 = arith.constant 0.000000e+00 : f32
    %broadcast_in_dim3A_264 = vector.broadcast %jit3A_263 : f32 to vector<1x2048xf32>
    %select_n3A_265 = arith.select %eq3A_262, %add3A_259, %broadcast_in_dim3A_264 : vector<1x2048xi1>, vector<1x2048xf32>
    %add3A_266 = arith.addf %add3A_233, %select_n3A_265 : vector<1x2048xf32>
    %broadcast_in_dim3A_267 = arith.constant 0.000000e+00 : f32
    %broadcast_in_dim3A_268 = vector.broadcast %broadcast_in_dim3A_267 : f32 to vector<1x2048xf32>
    %get3A_269 = arith.constant 0 : index
    %get3A_270 = arith.constant 0 : index
    %get3A_271 = arith.constant 3 : index
    %get3A_272 = vector.load %arg4[%get3A_269, %get3A_270, %get3A_271] : memref<8x1x128xf32, #tpu.memory_space<vmem>>, vector<1x1x1xf32>
    %get3A_273 = vector.extract %get3A_272[0, 0, 0] : f32 from vector<1x1x1xf32>
    %slice3A_274 = vector.extract_strided_slice %get3A_1 {offsets = [0, 0], sizes = [1, 2048], strides = [1, 1]} : vector<3x2048xf32> to vector<1x2048xf32>
    %mul3A_275 = vector.broadcast %get3A_273 : f32 to vector<1x2048xf32>
    %mul3A_276 = arith.mulf %mul3A_275, %slice3A_274 : vector<1x2048xf32>
    %get3A_277 = arith.constant 0 : index
    %get3A_278 = arith.constant 0 : index
    %get3A_279 = arith.constant 4 : index
    %get3A_280 = vector.load %arg4[%get3A_277, %get3A_278, %get3A_279] : memref<8x1x128xf32, #tpu.memory_space<vmem>>, vector<1x1x1xf32>
    %get3A_281 = vector.extract %get3A_280[0, 0, 0] : f32 from vector<1x1x1xf32>
    %slice3A_282 = vector.extract_strided_slice %get3A_1 {offsets = [1, 0], sizes = [1, 2048], strides = [1, 1]} : vector<3x2048xf32> to vector<1x2048xf32>
    %mul3A_283 = vector.broadcast %get3A_281 : f32 to vector<1x2048xf32>
    %mul3A_284 = arith.mulf %mul3A_283, %slice3A_282 : vector<1x2048xf32>
    %add3A_285 = arith.addf %mul3A_276, %mul3A_284 : vector<1x2048xf32>
    %get3A_286 = arith.constant 0 : index
    %get3A_287 = arith.constant 0 : index
    %get3A_288 = arith.constant 5 : index
    %get3A_289 = vector.load %arg4[%get3A_286, %get3A_287, %get3A_288] : memref<8x1x128xf32, #tpu.memory_space<vmem>>, vector<1x1x1xf32>
    %get3A_290 = vector.extract %get3A_289[0, 0, 0] : f32 from vector<1x1x1xf32>
    %slice3A_291 = vector.extract_strided_slice %get3A_1 {offsets = [2, 0], sizes = [1, 2048], strides = [1, 1]} : vector<3x2048xf32> to vector<1x2048xf32>
    %mul3A_292 = vector.broadcast %get3A_290 : f32 to vector<1x2048xf32>
    %mul3A_293 = arith.mulf %mul3A_292, %slice3A_291 : vector<1x2048xf32>
    %add3A_294 = arith.addf %add3A_285, %mul3A_293 : vector<1x2048xf32>
    %eq3A_295 = arith.constant 0 : i32
    %eq3A_296 = vector.broadcast %eq3A_295 : i32 to vector<1x2048xi32>
    %eq3A_297 = arith.cmpi eq, %get3A_7, %eq3A_296 : vector<1x2048xi32>
    %jit3A_298 = arith.constant 0.000000e+00 : f32
    %broadcast_in_dim3A_299 = vector.broadcast %jit3A_298 : f32 to vector<1x2048xf32>
    %select_n3A_300 = arith.select %eq3A_297, %add3A_294, %broadcast_in_dim3A_299 : vector<1x2048xi1>, vector<1x2048xf32>
    %add3A_301 = arith.addf %broadcast_in_dim3A_268, %select_n3A_300 : vector<1x2048xf32>
    %get3A_302 = arith.constant 1 : index
    %get3A_303 = arith.constant 0 : index
    %get3A_304 = arith.constant 3 : index
    %get3A_305 = vector.load %arg4[%get3A_302, %get3A_303, %get3A_304] : memref<8x1x128xf32, #tpu.memory_space<vmem>>, vector<1x1x1xf32>
    %get3A_306 = vector.extract %get3A_305[0, 0, 0] : f32 from vector<1x1x1xf32>
    %slice3A_307 = vector.extract_strided_slice %get3A_1 {offsets = [0, 0], sizes = [1, 2048], strides = [1, 1]} : vector<3x2048xf32> to vector<1x2048xf32>
    %mul3A_308 = vector.broadcast %get3A_306 : f32 to vector<1x2048xf32>
    %mul3A_309 = arith.mulf %mul3A_308, %slice3A_307 : vector<1x2048xf32>
    %get3A_310 = arith.constant 1 : index
    %get3A_311 = arith.constant 0 : index
    %get3A_312 = arith.constant 4 : index
    %get3A_313 = vector.load %arg4[%get3A_310, %get3A_311, %get3A_312] : memref<8x1x128xf32, #tpu.memory_space<vmem>>, vector<1x1x1xf32>
    %get3A_314 = vector.extract %get3A_313[0, 0, 0] : f32 from vector<1x1x1xf32>
    %slice3A_315 = vector.extract_strided_slice %get3A_1 {offsets = [1, 0], sizes = [1, 2048], strides = [1, 1]} : vector<3x2048xf32> to vector<1x2048xf32>
    %mul3A_316 = vector.broadcast %get3A_314 : f32 to vector<1x2048xf32>
    %mul3A_317 = arith.mulf %mul3A_316, %slice3A_315 : vector<1x2048xf32>
    %add3A_318 = arith.addf %mul3A_309, %mul3A_317 : vector<1x2048xf32>
    %get3A_319 = arith.constant 1 : index
    %get3A_320 = arith.constant 0 : index
    %get3A_321 = arith.constant 5 : index
    %get3A_322 = vector.load %arg4[%get3A_319, %get3A_320, %get3A_321] : memref<8x1x128xf32, #tpu.memory_space<vmem>>, vector<1x1x1xf32>
    %get3A_323 = vector.extract %get3A_322[0, 0, 0] : f32 from vector<1x1x1xf32>
    %slice3A_324 = vector.extract_strided_slice %get3A_1 {offsets = [2, 0], sizes = [1, 2048], strides = [1, 1]} : vector<3x2048xf32> to vector<1x2048xf32>
    %mul3A_325 = vector.broadcast %get3A_323 : f32 to vector<1x2048xf32>
    %mul3A_326 = arith.mulf %mul3A_325, %slice3A_324 : vector<1x2048xf32>
    %add3A_327 = arith.addf %add3A_318, %mul3A_326 : vector<1x2048xf32>
    %eq3A_328 = arith.constant 1 : i32
    %eq3A_329 = vector.broadcast %eq3A_328 : i32 to vector<1x2048xi32>
    %eq3A_330 = arith.cmpi eq, %get3A_7, %eq3A_329 : vector<1x2048xi32>
    %jit3A_331 = arith.constant 0.000000e+00 : f32
    %broadcast_in_dim3A_332 = vector.broadcast %jit3A_331 : f32 to vector<1x2048xf32>
    %select_n3A_333 = arith.select %eq3A_330, %add3A_327, %broadcast_in_dim3A_332 : vector<1x2048xi1>, vector<1x2048xf32>
    %add3A_334 = arith.addf %add3A_301, %select_n3A_333 : vector<1x2048xf32>
    %get3A_335 = arith.constant 2 : index
    %get3A_336 = arith.constant 0 : index
    %get3A_337 = arith.constant 3 : index
    %get3A_338 = vector.load %arg4[%get3A_335, %get3A_336, %get3A_337] : memref<8x1x128xf32, #tpu.memory_space<vmem>>, vector<1x1x1xf32>
    %get3A_339 = vector.extract %get3A_338[0, 0, 0] : f32 from vector<1x1x1xf32>
    %slice3A_340 = vector.extract_strided_slice %get3A_1 {offsets = [0, 0], sizes = [1, 2048], strides = [1, 1]} : vector<3x2048xf32> to vector<1x2048xf32>
    %mul3A_341 = vector.broadcast %get3A_339 : f32 to vector<1x2048xf32>
    %mul3A_342 = arith.mulf %mul3A_341, %slice3A_340 : vector<1x2048xf32>
    %get3A_343 = arith.constant 2 : index
    %get3A_344 = arith.constant 0 : index
    %get3A_345 = arith.constant 4 : index
    %get3A_346 = vector.load %arg4[%get3A_343, %get3A_344, %get3A_345] : memref<8x1x128xf32, #tpu.memory_space<vmem>>, vector<1x1x1xf32>
    %get3A_347 = vector.extract %get3A_346[0, 0, 0] : f32 from vector<1x1x1xf32>
    %slice3A_348 = vector.extract_strided_slice %get3A_1 {offsets = [1, 0], sizes = [1, 2048], strides = [1, 1]} : vector<3x2048xf32> to vector<1x2048xf32>
    %mul3A_349 = vector.broadcast %get3A_347 : f32 to vector<1x2048xf32>
    %mul3A_350 = arith.mulf %mul3A_349, %slice3A_348 : vector<1x2048xf32>
    %add3A_351 = arith.addf %mul3A_342, %mul3A_350 : vector<1x2048xf32>
    %get3A_352 = arith.constant 2 : index
    %get3A_353 = arith.constant 0 : index
    %get3A_354 = arith.constant 5 : index
    %get3A_355 = vector.load %arg4[%get3A_352, %get3A_353, %get3A_354] : memref<8x1x128xf32, #tpu.memory_space<vmem>>, vector<1x1x1xf32>
    %get3A_356 = vector.extract %get3A_355[0, 0, 0] : f32 from vector<1x1x1xf32>
    %slice3A_357 = vector.extract_strided_slice %get3A_1 {offsets = [2, 0], sizes = [1, 2048], strides = [1, 1]} : vector<3x2048xf32> to vector<1x2048xf32>
    %mul3A_358 = vector.broadcast %get3A_356 : f32 to vector<1x2048xf32>
    %mul3A_359 = arith.mulf %mul3A_358, %slice3A_357 : vector<1x2048xf32>
    %add3A_360 = arith.addf %add3A_351, %mul3A_359 : vector<1x2048xf32>
    %eq3A_361 = arith.constant 2 : i32
    %eq3A_362 = vector.broadcast %eq3A_361 : i32 to vector<1x2048xi32>
    %eq3A_363 = arith.cmpi eq, %get3A_7, %eq3A_362 : vector<1x2048xi32>
    %jit3A_364 = arith.constant 0.000000e+00 : f32
    %broadcast_in_dim3A_365 = vector.broadcast %jit3A_364 : f32 to vector<1x2048xf32>
    %select_n3A_366 = arith.select %eq3A_363, %add3A_360, %broadcast_in_dim3A_365 : vector<1x2048xi1>, vector<1x2048xf32>
    %add3A_367 = arith.addf %add3A_334, %select_n3A_366 : vector<1x2048xf32>
    %get3A_368 = arith.constant 3 : index
    %get3A_369 = arith.constant 0 : index
    %get3A_370 = arith.constant 3 : index
    %get3A_371 = vector.load %arg4[%get3A_368, %get3A_369, %get3A_370] : memref<8x1x128xf32, #tpu.memory_space<vmem>>, vector<1x1x1xf32>
    %get3A_372 = vector.extract %get3A_371[0, 0, 0] : f32 from vector<1x1x1xf32>
    %slice3A_373 = vector.extract_strided_slice %get3A_1 {offsets = [0, 0], sizes = [1, 2048], strides = [1, 1]} : vector<3x2048xf32> to vector<1x2048xf32>
    %mul3A_374 = vector.broadcast %get3A_372 : f32 to vector<1x2048xf32>
    %mul3A_375 = arith.mulf %mul3A_374, %slice3A_373 : vector<1x2048xf32>
    %get3A_376 = arith.constant 3 : index
    %get3A_377 = arith.constant 0 : index
    %get3A_378 = arith.constant 4 : index
    %get3A_379 = vector.load %arg4[%get3A_376, %get3A_377, %get3A_378] : memref<8x1x128xf32, #tpu.memory_space<vmem>>, vector<1x1x1xf32>
    %get3A_380 = vector.extract %get3A_379[0, 0, 0] : f32 from vector<1x1x1xf32>
    %slice3A_381 = vector.extract_strided_slice %get3A_1 {offsets = [1, 0], sizes = [1, 2048], strides = [1, 1]} : vector<3x2048xf32> to vector<1x2048xf32>
    %mul3A_382 = vector.broadcast %get3A_380 : f32 to vector<1x2048xf32>
    %mul3A_383 = arith.mulf %mul3A_382, %slice3A_381 : vector<1x2048xf32>
    %add3A_384 = arith.addf %mul3A_375, %mul3A_383 : vector<1x2048xf32>
    %get3A_385 = arith.constant 3 : index
    %get3A_386 = arith.constant 0 : index
    %get3A_387 = arith.constant 5 : index
    %get3A_388 = vector.load %arg4[%get3A_385, %get3A_386, %get3A_387] : memref<8x1x128xf32, #tpu.memory_space<vmem>>, vector<1x1x1xf32>
    %get3A_389 = vector.extract %get3A_388[0, 0, 0] : f32 from vector<1x1x1xf32>
    %slice3A_390 = vector.extract_strided_slice %get3A_1 {offsets = [2, 0], sizes = [1, 2048], strides = [1, 1]} : vector<3x2048xf32> to vector<1x2048xf32>
    %mul3A_391 = vector.broadcast %get3A_389 : f32 to vector<1x2048xf32>
    %mul3A_392 = arith.mulf %mul3A_391, %slice3A_390 : vector<1x2048xf32>
    %add3A_393 = arith.addf %add3A_384, %mul3A_392 : vector<1x2048xf32>
    %eq3A_394 = arith.constant 3 : i32
    %eq3A_395 = vector.broadcast %eq3A_394 : i32 to vector<1x2048xi32>
    %eq3A_396 = arith.cmpi eq, %get3A_7, %eq3A_395 : vector<1x2048xi32>
    %jit3A_397 = arith.constant 0.000000e+00 : f32
    %broadcast_in_dim3A_398 = vector.broadcast %jit3A_397 : f32 to vector<1x2048xf32>
    %select_n3A_399 = arith.select %eq3A_396, %add3A_393, %broadcast_in_dim3A_398 : vector<1x2048xi1>, vector<1x2048xf32>
    %add3A_400 = arith.addf %add3A_367, %select_n3A_399 : vector<1x2048xf32>
    %get3A_401 = arith.constant 4 : index
    %get3A_402 = arith.constant 0 : index
    %get3A_403 = arith.constant 3 : index
    %get3A_404 = vector.load %arg4[%get3A_401, %get3A_402, %get3A_403] : memref<8x1x128xf32, #tpu.memory_space<vmem>>, vector<1x1x1xf32>
    %get3A_405 = vector.extract %get3A_404[0, 0, 0] : f32 from vector<1x1x1xf32>
    %slice3A_406 = vector.extract_strided_slice %get3A_1 {offsets = [0, 0], sizes = [1, 2048], strides = [1, 1]} : vector<3x2048xf32> to vector<1x2048xf32>
    %mul3A_407 = vector.broadcast %get3A_405 : f32 to vector<1x2048xf32>
    %mul3A_408 = arith.mulf %mul3A_407, %slice3A_406 : vector<1x2048xf32>
    %get3A_409 = arith.constant 4 : index
    %get3A_410 = arith.constant 0 : index
    %get3A_411 = arith.constant 4 : index
    %get3A_412 = vector.load %arg4[%get3A_409, %get3A_410, %get3A_411] : memref<8x1x128xf32, #tpu.memory_space<vmem>>, vector<1x1x1xf32>
    %get3A_413 = vector.extract %get3A_412[0, 0, 0] : f32 from vector<1x1x1xf32>
    %slice3A_414 = vector.extract_strided_slice %get3A_1 {offsets = [1, 0], sizes = [1, 2048], strides = [1, 1]} : vector<3x2048xf32> to vector<1x2048xf32>
    %mul3A_415 = vector.broadcast %get3A_413 : f32 to vector<1x2048xf32>
    %mul3A_416 = arith.mulf %mul3A_415, %slice3A_414 : vector<1x2048xf32>
    %add3A_417 = arith.addf %mul3A_408, %mul3A_416 : vector<1x2048xf32>
    %get3A_418 = arith.constant 4 : index
    %get3A_419 = arith.constant 0 : index
    %get3A_420 = arith.constant 5 : index
    %get3A_421 = vector.load %arg4[%get3A_418, %get3A_419, %get3A_420] : memref<8x1x128xf32, #tpu.memory_space<vmem>>, vector<1x1x1xf32>
    %get3A_422 = vector.extract %get3A_421[0, 0, 0] : f32 from vector<1x1x1xf32>
    %slice3A_423 = vector.extract_strided_slice %get3A_1 {offsets = [2, 0], sizes = [1, 2048], strides = [1, 1]} : vector<3x2048xf32> to vector<1x2048xf32>
    %mul3A_424 = vector.broadcast %get3A_422 : f32 to vector<1x2048xf32>
    %mul3A_425 = arith.mulf %mul3A_424, %slice3A_423 : vector<1x2048xf32>
    %add3A_426 = arith.addf %add3A_417, %mul3A_425 : vector<1x2048xf32>
    %eq3A_427 = arith.constant 4 : i32
    %eq3A_428 = vector.broadcast %eq3A_427 : i32 to vector<1x2048xi32>
    %eq3A_429 = arith.cmpi eq, %get3A_7, %eq3A_428 : vector<1x2048xi32>
    %jit3A_430 = arith.constant 0.000000e+00 : f32
    %broadcast_in_dim3A_431 = vector.broadcast %jit3A_430 : f32 to vector<1x2048xf32>
    %select_n3A_432 = arith.select %eq3A_429, %add3A_426, %broadcast_in_dim3A_431 : vector<1x2048xi1>, vector<1x2048xf32>
    %add3A_433 = arith.addf %add3A_400, %select_n3A_432 : vector<1x2048xf32>
    %get3A_434 = arith.constant 5 : index
    %get3A_435 = arith.constant 0 : index
    %get3A_436 = arith.constant 3 : index
    %get3A_437 = vector.load %arg4[%get3A_434, %get3A_435, %get3A_436] : memref<8x1x128xf32, #tpu.memory_space<vmem>>, vector<1x1x1xf32>
    %get3A_438 = vector.extract %get3A_437[0, 0, 0] : f32 from vector<1x1x1xf32>
    %slice3A_439 = vector.extract_strided_slice %get3A_1 {offsets = [0, 0], sizes = [1, 2048], strides = [1, 1]} : vector<3x2048xf32> to vector<1x2048xf32>
    %mul3A_440 = vector.broadcast %get3A_438 : f32 to vector<1x2048xf32>
    %mul3A_441 = arith.mulf %mul3A_440, %slice3A_439 : vector<1x2048xf32>
    %get3A_442 = arith.constant 5 : index
    %get3A_443 = arith.constant 0 : index
    %get3A_444 = arith.constant 4 : index
    %get3A_445 = vector.load %arg4[%get3A_442, %get3A_443, %get3A_444] : memref<8x1x128xf32, #tpu.memory_space<vmem>>, vector<1x1x1xf32>
    %get3A_446 = vector.extract %get3A_445[0, 0, 0] : f32 from vector<1x1x1xf32>
    %slice3A_447 = vector.extract_strided_slice %get3A_1 {offsets = [1, 0], sizes = [1, 2048], strides = [1, 1]} : vector<3x2048xf32> to vector<1x2048xf32>
    %mul3A_448 = vector.broadcast %get3A_446 : f32 to vector<1x2048xf32>
    %mul3A_449 = arith.mulf %mul3A_448, %slice3A_447 : vector<1x2048xf32>
    %add3A_450 = arith.addf %mul3A_441, %mul3A_449 : vector<1x2048xf32>
    %get3A_451 = arith.constant 5 : index
    %get3A_452 = arith.constant 0 : index
    %get3A_453 = arith.constant 5 : index
    %get3A_454 = vector.load %arg4[%get3A_451, %get3A_452, %get3A_453] : memref<8x1x128xf32, #tpu.memory_space<vmem>>, vector<1x1x1xf32>
    %get3A_455 = vector.extract %get3A_454[0, 0, 0] : f32 from vector<1x1x1xf32>
    %slice3A_456 = vector.extract_strided_slice %get3A_1 {offsets = [2, 0], sizes = [1, 2048], strides = [1, 1]} : vector<3x2048xf32> to vector<1x2048xf32>
    %mul3A_457 = vector.broadcast %get3A_455 : f32 to vector<1x2048xf32>
    %mul3A_458 = arith.mulf %mul3A_457, %slice3A_456 : vector<1x2048xf32>
    %add3A_459 = arith.addf %add3A_450, %mul3A_458 : vector<1x2048xf32>
    %eq3A_460 = arith.constant 5 : i32
    %eq3A_461 = vector.broadcast %eq3A_460 : i32 to vector<1x2048xi32>
    %eq3A_462 = arith.cmpi eq, %get3A_7, %eq3A_461 : vector<1x2048xi32>
    %jit3A_463 = arith.constant 0.000000e+00 : f32
    %broadcast_in_dim3A_464 = vector.broadcast %jit3A_463 : f32 to vector<1x2048xf32>
    %select_n3A_465 = arith.select %eq3A_462, %add3A_459, %broadcast_in_dim3A_464 : vector<1x2048xi1>, vector<1x2048xf32>
    %add3A_466 = arith.addf %add3A_433, %select_n3A_465 : vector<1x2048xf32>
    %get3A_467 = arith.constant 6 : index
    %get3A_468 = arith.constant 0 : index
    %get3A_469 = arith.constant 3 : index
    %get3A_470 = vector.load %arg4[%get3A_467, %get3A_468, %get3A_469] : memref<8x1x128xf32, #tpu.memory_space<vmem>>, vector<1x1x1xf32>
    %get3A_471 = vector.extract %get3A_470[0, 0, 0] : f32 from vector<1x1x1xf32>
    %slice3A_472 = vector.extract_strided_slice %get3A_1 {offsets = [0, 0], sizes = [1, 2048], strides = [1, 1]} : vector<3x2048xf32> to vector<1x2048xf32>
    %mul3A_473 = vector.broadcast %get3A_471 : f32 to vector<1x2048xf32>
    %mul3A_474 = arith.mulf %mul3A_473, %slice3A_472 : vector<1x2048xf32>
    %get3A_475 = arith.constant 6 : index
    %get3A_476 = arith.constant 0 : index
    %get3A_477 = arith.constant 4 : index
    %get3A_478 = vector.load %arg4[%get3A_475, %get3A_476, %get3A_477] : memref<8x1x128xf32, #tpu.memory_space<vmem>>, vector<1x1x1xf32>
    %get3A_479 = vector.extract %get3A_478[0, 0, 0] : f32 from vector<1x1x1xf32>
    %slice3A_480 = vector.extract_strided_slice %get3A_1 {offsets = [1, 0], sizes = [1, 2048], strides = [1, 1]} : vector<3x2048xf32> to vector<1x2048xf32>
    %mul3A_481 = vector.broadcast %get3A_479 : f32 to vector<1x2048xf32>
    %mul3A_482 = arith.mulf %mul3A_481, %slice3A_480 : vector<1x2048xf32>
    %add3A_483 = arith.addf %mul3A_474, %mul3A_482 : vector<1x2048xf32>
    %get3A_484 = arith.constant 6 : index
    %get3A_485 = arith.constant 0 : index
    %get3A_486 = arith.constant 5 : index
    %get3A_487 = vector.load %arg4[%get3A_484, %get3A_485, %get3A_486] : memref<8x1x128xf32, #tpu.memory_space<vmem>>, vector<1x1x1xf32>
    %get3A_488 = vector.extract %get3A_487[0, 0, 0] : f32 from vector<1x1x1xf32>
    %slice3A_489 = vector.extract_strided_slice %get3A_1 {offsets = [2, 0], sizes = [1, 2048], strides = [1, 1]} : vector<3x2048xf32> to vector<1x2048xf32>
    %mul3A_490 = vector.broadcast %get3A_488 : f32 to vector<1x2048xf32>
    %mul3A_491 = arith.mulf %mul3A_490, %slice3A_489 : vector<1x2048xf32>
    %add3A_492 = arith.addf %add3A_483, %mul3A_491 : vector<1x2048xf32>
    %eq3A_493 = arith.constant 6 : i32
    %eq3A_494 = vector.broadcast %eq3A_493 : i32 to vector<1x2048xi32>
    %eq3A_495 = arith.cmpi eq, %get3A_7, %eq3A_494 : vector<1x2048xi32>
    %jit3A_496 = arith.constant 0.000000e+00 : f32
    %broadcast_in_dim3A_497 = vector.broadcast %jit3A_496 : f32 to vector<1x2048xf32>
    %select_n3A_498 = arith.select %eq3A_495, %add3A_492, %broadcast_in_dim3A_497 : vector<1x2048xi1>, vector<1x2048xf32>
    %add3A_499 = arith.addf %add3A_466, %select_n3A_498 : vector<1x2048xf32>
    %get3A_500 = arith.constant 7 : index
    %get3A_501 = arith.constant 0 : index
    %get3A_502 = arith.constant 3 : index
    %get3A_503 = vector.load %arg4[%get3A_500, %get3A_501, %get3A_502] : memref<8x1x128xf32, #tpu.memory_space<vmem>>, vector<1x1x1xf32>
    %get3A_504 = vector.extract %get3A_503[0, 0, 0] : f32 from vector<1x1x1xf32>
    %slice3A_505 = vector.extract_strided_slice %get3A_1 {offsets = [0, 0], sizes = [1, 2048], strides = [1, 1]} : vector<3x2048xf32> to vector<1x2048xf32>
    %mul3A_506 = vector.broadcast %get3A_504 : f32 to vector<1x2048xf32>
    %mul3A_507 = arith.mulf %mul3A_506, %slice3A_505 : vector<1x2048xf32>
    %get3A_508 = arith.constant 7 : index
    %get3A_509 = arith.constant 0 : index
    %get3A_510 = arith.constant 4 : index
    %get3A_511 = vector.load %arg4[%get3A_508, %get3A_509, %get3A_510] : memref<8x1x128xf32, #tpu.memory_space<vmem>>, vector<1x1x1xf32>
    %get3A_512 = vector.extract %get3A_511[0, 0, 0] : f32 from vector<1x1x1xf32>
    %slice3A_513 = vector.extract_strided_slice %get3A_1 {offsets = [1, 0], sizes = [1, 2048], strides = [1, 1]} : vector<3x2048xf32> to vector<1x2048xf32>
    %mul3A_514 = vector.broadcast %get3A_512 : f32 to vector<1x2048xf32>
    %mul3A_515 = arith.mulf %mul3A_514, %slice3A_513 : vector<1x2048xf32>
    %add3A_516 = arith.addf %mul3A_507, %mul3A_515 : vector<1x2048xf32>
    %get3A_517 = arith.constant 7 : index
    %get3A_518 = arith.constant 0 : index
    %get3A_519 = arith.constant 5 : index
    %get3A_520 = vector.load %arg4[%get3A_517, %get3A_518, %get3A_519] : memref<8x1x128xf32, #tpu.memory_space<vmem>>, vector<1x1x1xf32>
    %get3A_521 = vector.extract %get3A_520[0, 0, 0] : f32 from vector<1x1x1xf32>
    %slice3A_522 = vector.extract_strided_slice %get3A_1 {offsets = [2, 0], sizes = [1, 2048], strides = [1, 1]} : vector<3x2048xf32> to vector<1x2048xf32>
    %mul3A_523 = vector.broadcast %get3A_521 : f32 to vector<1x2048xf32>
    %mul3A_524 = arith.mulf %mul3A_523, %slice3A_522 : vector<1x2048xf32>
    %add3A_525 = arith.addf %add3A_516, %mul3A_524 : vector<1x2048xf32>
    %eq3A_526 = arith.constant 7 : i32
    %eq3A_527 = vector.broadcast %eq3A_526 : i32 to vector<1x2048xi32>
    %eq3A_528 = arith.cmpi eq, %get3A_7, %eq3A_527 : vector<1x2048xi32>
    %jit3A_529 = arith.constant 0.000000e+00 : f32
    %broadcast_in_dim3A_530 = vector.broadcast %jit3A_529 : f32 to vector<1x2048xf32>
    %select_n3A_531 = arith.select %eq3A_528, %add3A_525, %broadcast_in_dim3A_530 : vector<1x2048xi1>, vector<1x2048xf32>
    %add3A_532 = arith.addf %add3A_499, %select_n3A_531 : vector<1x2048xf32>
    %broadcast_in_dim3A_533 = arith.constant 0.000000e+00 : f32
    %broadcast_in_dim3A_534 = vector.broadcast %broadcast_in_dim3A_533 : f32 to vector<1x2048xf32>
    %get3A_535 = arith.constant 0 : index
    %get3A_536 = arith.constant 0 : index
    %get3A_537 = arith.constant 6 : index
    %get3A_538 = vector.load %arg4[%get3A_535, %get3A_536, %get3A_537] : memref<8x1x128xf32, #tpu.memory_space<vmem>>, vector<1x1x1xf32>
    %get3A_539 = vector.extract %get3A_538[0, 0, 0] : f32 from vector<1x1x1xf32>
    %slice3A_540 = vector.extract_strided_slice %get3A_1 {offsets = [0, 0], sizes = [1, 2048], strides = [1, 1]} : vector<3x2048xf32> to vector<1x2048xf32>
    %mul3A_541 = vector.broadcast %get3A_539 : f32 to vector<1x2048xf32>
    %mul3A_542 = arith.mulf %mul3A_541, %slice3A_540 : vector<1x2048xf32>
    %get3A_543 = arith.constant 0 : index
    %get3A_544 = arith.constant 0 : index
    %get3A_545 = arith.constant 7 : index
    %get3A_546 = vector.load %arg4[%get3A_543, %get3A_544, %get3A_545] : memref<8x1x128xf32, #tpu.memory_space<vmem>>, vector<1x1x1xf32>
    %get3A_547 = vector.extract %get3A_546[0, 0, 0] : f32 from vector<1x1x1xf32>
    %slice3A_548 = vector.extract_strided_slice %get3A_1 {offsets = [1, 0], sizes = [1, 2048], strides = [1, 1]} : vector<3x2048xf32> to vector<1x2048xf32>
    %mul3A_549 = vector.broadcast %get3A_547 : f32 to vector<1x2048xf32>
    %mul3A_550 = arith.mulf %mul3A_549, %slice3A_548 : vector<1x2048xf32>
    %add3A_551 = arith.addf %mul3A_542, %mul3A_550 : vector<1x2048xf32>
    %get3A_552 = arith.constant 0 : index
    %get3A_553 = arith.constant 0 : index
    %get3A_554 = arith.constant 8 : index
    %get3A_555 = vector.load %arg4[%get3A_552, %get3A_553, %get3A_554] : memref<8x1x128xf32, #tpu.memory_space<vmem>>, vector<1x1x1xf32>
    %get3A_556 = vector.extract %get3A_555[0, 0, 0] : f32 from vector<1x1x1xf32>
    %slice3A_557 = vector.extract_strided_slice %get3A_1 {offsets = [2, 0], sizes = [1, 2048], strides = [1, 1]} : vector<3x2048xf32> to vector<1x2048xf32>
    %mul3A_558 = vector.broadcast %get3A_556 : f32 to vector<1x2048xf32>
    %mul3A_559 = arith.mulf %mul3A_558, %slice3A_557 : vector<1x2048xf32>
    %add3A_560 = arith.addf %add3A_551, %mul3A_559 : vector<1x2048xf32>
    %eq3A_561 = arith.constant 0 : i32
    %eq3A_562 = vector.broadcast %eq3A_561 : i32 to vector<1x2048xi32>
    %eq3A_563 = arith.cmpi eq, %get3A_7, %eq3A_562 : vector<1x2048xi32>
    %jit3A_564 = arith.constant 0.000000e+00 : f32
    %broadcast_in_dim3A_565 = vector.broadcast %jit3A_564 : f32 to vector<1x2048xf32>
    %select_n3A_566 = arith.select %eq3A_563, %add3A_560, %broadcast_in_dim3A_565 : vector<1x2048xi1>, vector<1x2048xf32>
    %add3A_567 = arith.addf %broadcast_in_dim3A_534, %select_n3A_566 : vector<1x2048xf32>
    %get3A_568 = arith.constant 1 : index
    %get3A_569 = arith.constant 0 : index
    %get3A_570 = arith.constant 6 : index
    %get3A_571 = vector.load %arg4[%get3A_568, %get3A_569, %get3A_570] : memref<8x1x128xf32, #tpu.memory_space<vmem>>, vector<1x1x1xf32>
    %get3A_572 = vector.extract %get3A_571[0, 0, 0] : f32 from vector<1x1x1xf32>
    %slice3A_573 = vector.extract_strided_slice %get3A_1 {offsets = [0, 0], sizes = [1, 2048], strides = [1, 1]} : vector<3x2048xf32> to vector<1x2048xf32>
    %mul3A_574 = vector.broadcast %get3A_572 : f32 to vector<1x2048xf32>
    %mul3A_575 = arith.mulf %mul3A_574, %slice3A_573 : vector<1x2048xf32>
    %get3A_576 = arith.constant 1 : index
    %get3A_577 = arith.constant 0 : index
    %get3A_578 = arith.constant 7 : index
    %get3A_579 = vector.load %arg4[%get3A_576, %get3A_577, %get3A_578] : memref<8x1x128xf32, #tpu.memory_space<vmem>>, vector<1x1x1xf32>
    %get3A_580 = vector.extract %get3A_579[0, 0, 0] : f32 from vector<1x1x1xf32>
    %slice3A_581 = vector.extract_strided_slice %get3A_1 {offsets = [1, 0], sizes = [1, 2048], strides = [1, 1]} : vector<3x2048xf32> to vector<1x2048xf32>
    %mul3A_582 = vector.broadcast %get3A_580 : f32 to vector<1x2048xf32>
    %mul3A_583 = arith.mulf %mul3A_582, %slice3A_581 : vector<1x2048xf32>
    %add3A_584 = arith.addf %mul3A_575, %mul3A_583 : vector<1x2048xf32>
    %get3A_585 = arith.constant 1 : index
    %get3A_586 = arith.constant 0 : index
    %get3A_587 = arith.constant 8 : index
    %get3A_588 = vector.load %arg4[%get3A_585, %get3A_586, %get3A_587] : memref<8x1x128xf32, #tpu.memory_space<vmem>>, vector<1x1x1xf32>
    %get3A_589 = vector.extract %get3A_588[0, 0, 0] : f32 from vector<1x1x1xf32>
    %slice3A_590 = vector.extract_strided_slice %get3A_1 {offsets = [2, 0], sizes = [1, 2048], strides = [1, 1]} : vector<3x2048xf32> to vector<1x2048xf32>
    %mul3A_591 = vector.broadcast %get3A_589 : f32 to vector<1x2048xf32>
    %mul3A_592 = arith.mulf %mul3A_591, %slice3A_590 : vector<1x2048xf32>
    %add3A_593 = arith.addf %add3A_584, %mul3A_592 : vector<1x2048xf32>
    %eq3A_594 = arith.constant 1 : i32
    %eq3A_595 = vector.broadcast %eq3A_594 : i32 to vector<1x2048xi32>
    %eq3A_596 = arith.cmpi eq, %get3A_7, %eq3A_595 : vector<1x2048xi32>
    %jit3A_597 = arith.constant 0.000000e+00 : f32
    %broadcast_in_dim3A_598 = vector.broadcast %jit3A_597 : f32 to vector<1x2048xf32>
    %select_n3A_599 = arith.select %eq3A_596, %add3A_593, %broadcast_in_dim3A_598 : vector<1x2048xi1>, vector<1x2048xf32>
    %add3A_600 = arith.addf %add3A_567, %select_n3A_599 : vector<1x2048xf32>
    %get3A_601 = arith.constant 2 : index
    %get3A_602 = arith.constant 0 : index
    %get3A_603 = arith.constant 6 : index
    %get3A_604 = vector.load %arg4[%get3A_601, %get3A_602, %get3A_603] : memref<8x1x128xf32, #tpu.memory_space<vmem>>, vector<1x1x1xf32>
    %get3A_605 = vector.extract %get3A_604[0, 0, 0] : f32 from vector<1x1x1xf32>
    %slice3A_606 = vector.extract_strided_slice %get3A_1 {offsets = [0, 0], sizes = [1, 2048], strides = [1, 1]} : vector<3x2048xf32> to vector<1x2048xf32>
    %mul3A_607 = vector.broadcast %get3A_605 : f32 to vector<1x2048xf32>
    %mul3A_608 = arith.mulf %mul3A_607, %slice3A_606 : vector<1x2048xf32>
    %get3A_609 = arith.constant 2 : index
    %get3A_610 = arith.constant 0 : index
    %get3A_611 = arith.constant 7 : index
    %get3A_612 = vector.load %arg4[%get3A_609, %get3A_610, %get3A_611] : memref<8x1x128xf32, #tpu.memory_space<vmem>>, vector<1x1x1xf32>
    %get3A_613 = vector.extract %get3A_612[0, 0, 0] : f32 from vector<1x1x1xf32>
    %slice3A_614 = vector.extract_strided_slice %get3A_1 {offsets = [1, 0], sizes = [1, 2048], strides = [1, 1]} : vector<3x2048xf32> to vector<1x2048xf32>
    %mul3A_615 = vector.broadcast %get3A_613 : f32 to vector<1x2048xf32>
    %mul3A_616 = arith.mulf %mul3A_615, %slice3A_614 : vector<1x2048xf32>
    %add3A_617 = arith.addf %mul3A_608, %mul3A_616 : vector<1x2048xf32>
    %get3A_618 = arith.constant 2 : index
    %get3A_619 = arith.constant 0 : index
    %get3A_620 = arith.constant 8 : index
    %get3A_621 = vector.load %arg4[%get3A_618, %get3A_619, %get3A_620] : memref<8x1x128xf32, #tpu.memory_space<vmem>>, vector<1x1x1xf32>
    %get3A_622 = vector.extract %get3A_621[0, 0, 0] : f32 from vector<1x1x1xf32>
    %slice3A_623 = vector.extract_strided_slice %get3A_1 {offsets = [2, 0], sizes = [1, 2048], strides = [1, 1]} : vector<3x2048xf32> to vector<1x2048xf32>
    %mul3A_624 = vector.broadcast %get3A_622 : f32 to vector<1x2048xf32>
    %mul3A_625 = arith.mulf %mul3A_624, %slice3A_623 : vector<1x2048xf32>
    %add3A_626 = arith.addf %add3A_617, %mul3A_625 : vector<1x2048xf32>
    %eq3A_627 = arith.constant 2 : i32
    %eq3A_628 = vector.broadcast %eq3A_627 : i32 to vector<1x2048xi32>
    %eq3A_629 = arith.cmpi eq, %get3A_7, %eq3A_628 : vector<1x2048xi32>
    %jit3A_630 = arith.constant 0.000000e+00 : f32
    %broadcast_in_dim3A_631 = vector.broadcast %jit3A_630 : f32 to vector<1x2048xf32>
    %select_n3A_632 = arith.select %eq3A_629, %add3A_626, %broadcast_in_dim3A_631 : vector<1x2048xi1>, vector<1x2048xf32>
    %add3A_633 = arith.addf %add3A_600, %select_n3A_632 : vector<1x2048xf32>
    %get3A_634 = arith.constant 3 : index
    %get3A_635 = arith.constant 0 : index
    %get3A_636 = arith.constant 6 : index
    %get3A_637 = vector.load %arg4[%get3A_634, %get3A_635, %get3A_636] : memref<8x1x128xf32, #tpu.memory_space<vmem>>, vector<1x1x1xf32>
    %get3A_638 = vector.extract %get3A_637[0, 0, 0] : f32 from vector<1x1x1xf32>
    %slice3A_639 = vector.extract_strided_slice %get3A_1 {offsets = [0, 0], sizes = [1, 2048], strides = [1, 1]} : vector<3x2048xf32> to vector<1x2048xf32>
    %mul3A_640 = vector.broadcast %get3A_638 : f32 to vector<1x2048xf32>
    %mul3A_641 = arith.mulf %mul3A_640, %slice3A_639 : vector<1x2048xf32>
    %get3A_642 = arith.constant 3 : index
    %get3A_643 = arith.constant 0 : index
    %get3A_644 = arith.constant 7 : index
    %get3A_645 = vector.load %arg4[%get3A_642, %get3A_643, %get3A_644] : memref<8x1x128xf32, #tpu.memory_space<vmem>>, vector<1x1x1xf32>
    %get3A_646 = vector.extract %get3A_645[0, 0, 0] : f32 from vector<1x1x1xf32>
    %slice3A_647 = vector.extract_strided_slice %get3A_1 {offsets = [1, 0], sizes = [1, 2048], strides = [1, 1]} : vector<3x2048xf32> to vector<1x2048xf32>
    %mul3A_648 = vector.broadcast %get3A_646 : f32 to vector<1x2048xf32>
    %mul3A_649 = arith.mulf %mul3A_648, %slice3A_647 : vector<1x2048xf32>
    %add3A_650 = arith.addf %mul3A_641, %mul3A_649 : vector<1x2048xf32>
    %get3A_651 = arith.constant 3 : index
    %get3A_652 = arith.constant 0 : index
    %get3A_653 = arith.constant 8 : index
    %get3A_654 = vector.load %arg4[%get3A_651, %get3A_652, %get3A_653] : memref<8x1x128xf32, #tpu.memory_space<vmem>>, vector<1x1x1xf32>
    %get3A_655 = vector.extract %get3A_654[0, 0, 0] : f32 from vector<1x1x1xf32>
    %slice3A_656 = vector.extract_strided_slice %get3A_1 {offsets = [2, 0], sizes = [1, 2048], strides = [1, 1]} : vector<3x2048xf32> to vector<1x2048xf32>
    %mul3A_657 = vector.broadcast %get3A_655 : f32 to vector<1x2048xf32>
    %mul3A_658 = arith.mulf %mul3A_657, %slice3A_656 : vector<1x2048xf32>
    %add3A_659 = arith.addf %add3A_650, %mul3A_658 : vector<1x2048xf32>
    %eq3A_660 = arith.constant 3 : i32
    %eq3A_661 = vector.broadcast %eq3A_660 : i32 to vector<1x2048xi32>
    %eq3A_662 = arith.cmpi eq, %get3A_7, %eq3A_661 : vector<1x2048xi32>
    %jit3A_663 = arith.constant 0.000000e+00 : f32
    %broadcast_in_dim3A_664 = vector.broadcast %jit3A_663 : f32 to vector<1x2048xf32>
    %select_n3A_665 = arith.select %eq3A_662, %add3A_659, %broadcast_in_dim3A_664 : vector<1x2048xi1>, vector<1x2048xf32>
    %add3A_666 = arith.addf %add3A_633, %select_n3A_665 : vector<1x2048xf32>
    %get3A_667 = arith.constant 4 : index
    %get3A_668 = arith.constant 0 : index
    %get3A_669 = arith.constant 6 : index
    %get3A_670 = vector.load %arg4[%get3A_667, %get3A_668, %get3A_669] : memref<8x1x128xf32, #tpu.memory_space<vmem>>, vector<1x1x1xf32>
    %get3A_671 = vector.extract %get3A_670[0, 0, 0] : f32 from vector<1x1x1xf32>
    %slice3A_672 = vector.extract_strided_slice %get3A_1 {offsets = [0, 0], sizes = [1, 2048], strides = [1, 1]} : vector<3x2048xf32> to vector<1x2048xf32>
    %mul3A_673 = vector.broadcast %get3A_671 : f32 to vector<1x2048xf32>
    %mul3A_674 = arith.mulf %mul3A_673, %slice3A_672 : vector<1x2048xf32>
    %get3A_675 = arith.constant 4 : index
    %get3A_676 = arith.constant 0 : index
    %get3A_677 = arith.constant 7 : index
    %get3A_678 = vector.load %arg4[%get3A_675, %get3A_676, %get3A_677] : memref<8x1x128xf32, #tpu.memory_space<vmem>>, vector<1x1x1xf32>
    %get3A_679 = vector.extract %get3A_678[0, 0, 0] : f32 from vector<1x1x1xf32>
    %slice3A_680 = vector.extract_strided_slice %get3A_1 {offsets = [1, 0], sizes = [1, 2048], strides = [1, 1]} : vector<3x2048xf32> to vector<1x2048xf32>
    %mul3A_681 = vector.broadcast %get3A_679 : f32 to vector<1x2048xf32>
    %mul3A_682 = arith.mulf %mul3A_681, %slice3A_680 : vector<1x2048xf32>
    %add3A_683 = arith.addf %mul3A_674, %mul3A_682 : vector<1x2048xf32>
    %get3A_684 = arith.constant 4 : index
    %get3A_685 = arith.constant 0 : index
    %get3A_686 = arith.constant 8 : index
    %get3A_687 = vector.load %arg4[%get3A_684, %get3A_685, %get3A_686] : memref<8x1x128xf32, #tpu.memory_space<vmem>>, vector<1x1x1xf32>
    %get3A_688 = vector.extract %get3A_687[0, 0, 0] : f32 from vector<1x1x1xf32>
    %slice3A_689 = vector.extract_strided_slice %get3A_1 {offsets = [2, 0], sizes = [1, 2048], strides = [1, 1]} : vector<3x2048xf32> to vector<1x2048xf32>
    %mul3A_690 = vector.broadcast %get3A_688 : f32 to vector<1x2048xf32>
    %mul3A_691 = arith.mulf %mul3A_690, %slice3A_689 : vector<1x2048xf32>
    %add3A_692 = arith.addf %add3A_683, %mul3A_691 : vector<1x2048xf32>
    %eq3A_693 = arith.constant 4 : i32
    %eq3A_694 = vector.broadcast %eq3A_693 : i32 to vector<1x2048xi32>
    %eq3A_695 = arith.cmpi eq, %get3A_7, %eq3A_694 : vector<1x2048xi32>
    %jit3A_696 = arith.constant 0.000000e+00 : f32
    %broadcast_in_dim3A_697 = vector.broadcast %jit3A_696 : f32 to vector<1x2048xf32>
    %select_n3A_698 = arith.select %eq3A_695, %add3A_692, %broadcast_in_dim3A_697 : vector<1x2048xi1>, vector<1x2048xf32>
    %add3A_699 = arith.addf %add3A_666, %select_n3A_698 : vector<1x2048xf32>
    %get3A_700 = arith.constant 5 : index
    %get3A_701 = arith.constant 0 : index
    %get3A_702 = arith.constant 6 : index
    %get3A_703 = vector.load %arg4[%get3A_700, %get3A_701, %get3A_702] : memref<8x1x128xf32, #tpu.memory_space<vmem>>, vector<1x1x1xf32>
    %get3A_704 = vector.extract %get3A_703[0, 0, 0] : f32 from vector<1x1x1xf32>
    %slice3A_705 = vector.extract_strided_slice %get3A_1 {offsets = [0, 0], sizes = [1, 2048], strides = [1, 1]} : vector<3x2048xf32> to vector<1x2048xf32>
    %mul3A_706 = vector.broadcast %get3A_704 : f32 to vector<1x2048xf32>
    %mul3A_707 = arith.mulf %mul3A_706, %slice3A_705 : vector<1x2048xf32>
    %get3A_708 = arith.constant 5 : index
    %get3A_709 = arith.constant 0 : index
    %get3A_710 = arith.constant 7 : index
    %get3A_711 = vector.load %arg4[%get3A_708, %get3A_709, %get3A_710] : memref<8x1x128xf32, #tpu.memory_space<vmem>>, vector<1x1x1xf32>
    %get3A_712 = vector.extract %get3A_711[0, 0, 0] : f32 from vector<1x1x1xf32>
    %slice3A_713 = vector.extract_strided_slice %get3A_1 {offsets = [1, 0], sizes = [1, 2048], strides = [1, 1]} : vector<3x2048xf32> to vector<1x2048xf32>
    %mul3A_714 = vector.broadcast %get3A_712 : f32 to vector<1x2048xf32>
    %mul3A_715 = arith.mulf %mul3A_714, %slice3A_713 : vector<1x2048xf32>
    %add3A_716 = arith.addf %mul3A_707, %mul3A_715 : vector<1x2048xf32>
    %get3A_717 = arith.constant 5 : index
    %get3A_718 = arith.constant 0 : index
    %get3A_719 = arith.constant 8 : index
    %get3A_720 = vector.load %arg4[%get3A_717, %get3A_718, %get3A_719] : memref<8x1x128xf32, #tpu.memory_space<vmem>>, vector<1x1x1xf32>
    %get3A_721 = vector.extract %get3A_720[0, 0, 0] : f32 from vector<1x1x1xf32>
    %slice3A_722 = vector.extract_strided_slice %get3A_1 {offsets = [2, 0], sizes = [1, 2048], strides = [1, 1]} : vector<3x2048xf32> to vector<1x2048xf32>
    %mul3A_723 = vector.broadcast %get3A_721 : f32 to vector<1x2048xf32>
    %mul3A_724 = arith.mulf %mul3A_723, %slice3A_722 : vector<1x2048xf32>
    %add3A_725 = arith.addf %add3A_716, %mul3A_724 : vector<1x2048xf32>
    %eq3A_726 = arith.constant 5 : i32
    %eq3A_727 = vector.broadcast %eq3A_726 : i32 to vector<1x2048xi32>
    %eq3A_728 = arith.cmpi eq, %get3A_7, %eq3A_727 : vector<1x2048xi32>
    %jit3A_729 = arith.constant 0.000000e+00 : f32
    %broadcast_in_dim3A_730 = vector.broadcast %jit3A_729 : f32 to vector<1x2048xf32>
    %select_n3A_731 = arith.select %eq3A_728, %add3A_725, %broadcast_in_dim3A_730 : vector<1x2048xi1>, vector<1x2048xf32>
    %add3A_732 = arith.addf %add3A_699, %select_n3A_731 : vector<1x2048xf32>
    %get3A_733 = arith.constant 6 : index
    %get3A_734 = arith.constant 0 : index
    %get3A_735 = arith.constant 6 : index
    %get3A_736 = vector.load %arg4[%get3A_733, %get3A_734, %get3A_735] : memref<8x1x128xf32, #tpu.memory_space<vmem>>, vector<1x1x1xf32>
    %get3A_737 = vector.extract %get3A_736[0, 0, 0] : f32 from vector<1x1x1xf32>
    %slice3A_738 = vector.extract_strided_slice %get3A_1 {offsets = [0, 0], sizes = [1, 2048], strides = [1, 1]} : vector<3x2048xf32> to vector<1x2048xf32>
    %mul3A_739 = vector.broadcast %get3A_737 : f32 to vector<1x2048xf32>
    %mul3A_740 = arith.mulf %mul3A_739, %slice3A_738 : vector<1x2048xf32>
    %get3A_741 = arith.constant 6 : index
    %get3A_742 = arith.constant 0 : index
    %get3A_743 = arith.constant 7 : index
    %get3A_744 = vector.load %arg4[%get3A_741, %get3A_742, %get3A_743] : memref<8x1x128xf32, #tpu.memory_space<vmem>>, vector<1x1x1xf32>
    %get3A_745 = vector.extract %get3A_744[0, 0, 0] : f32 from vector<1x1x1xf32>
    %slice3A_746 = vector.extract_strided_slice %get3A_1 {offsets = [1, 0], sizes = [1, 2048], strides = [1, 1]} : vector<3x2048xf32> to vector<1x2048xf32>
    %mul3A_747 = vector.broadcast %get3A_745 : f32 to vector<1x2048xf32>
    %mul3A_748 = arith.mulf %mul3A_747, %slice3A_746 : vector<1x2048xf32>
    %add3A_749 = arith.addf %mul3A_740, %mul3A_748 : vector<1x2048xf32>
    %get3A_750 = arith.constant 6 : index
    %get3A_751 = arith.constant 0 : index
    %get3A_752 = arith.constant 8 : index
    %get3A_753 = vector.load %arg4[%get3A_750, %get3A_751, %get3A_752] : memref<8x1x128xf32, #tpu.memory_space<vmem>>, vector<1x1x1xf32>
    %get3A_754 = vector.extract %get3A_753[0, 0, 0] : f32 from vector<1x1x1xf32>
    %slice3A_755 = vector.extract_strided_slice %get3A_1 {offsets = [2, 0], sizes = [1, 2048], strides = [1, 1]} : vector<3x2048xf32> to vector<1x2048xf32>
    %mul3A_756 = vector.broadcast %get3A_754 : f32 to vector<1x2048xf32>
    %mul3A_757 = arith.mulf %mul3A_756, %slice3A_755 : vector<1x2048xf32>
    %add3A_758 = arith.addf %add3A_749, %mul3A_757 : vector<1x2048xf32>
    %eq3A_759 = arith.constant 6 : i32
    %eq3A_760 = vector.broadcast %eq3A_759 : i32 to vector<1x2048xi32>
    %eq3A_761 = arith.cmpi eq, %get3A_7, %eq3A_760 : vector<1x2048xi32>
    %jit3A_762 = arith.constant 0.000000e+00 : f32
    %broadcast_in_dim3A_763 = vector.broadcast %jit3A_762 : f32 to vector<1x2048xf32>
    %select_n3A_764 = arith.select %eq3A_761, %add3A_758, %broadcast_in_dim3A_763 : vector<1x2048xi1>, vector<1x2048xf32>
    %add3A_765 = arith.addf %add3A_732, %select_n3A_764 : vector<1x2048xf32>
    %get3A_766 = arith.constant 7 : index
    %get3A_767 = arith.constant 0 : index
    %get3A_768 = arith.constant 6 : index
    %get3A_769 = vector.load %arg4[%get3A_766, %get3A_767, %get3A_768] : memref<8x1x128xf32, #tpu.memory_space<vmem>>, vector<1x1x1xf32>
    %get3A_770 = vector.extract %get3A_769[0, 0, 0] : f32 from vector<1x1x1xf32>
    %slice3A_771 = vector.extract_strided_slice %get3A_1 {offsets = [0, 0], sizes = [1, 2048], strides = [1, 1]} : vector<3x2048xf32> to vector<1x2048xf32>
    %mul3A_772 = vector.broadcast %get3A_770 : f32 to vector<1x2048xf32>
    %mul3A_773 = arith.mulf %mul3A_772, %slice3A_771 : vector<1x2048xf32>
    %get3A_774 = arith.constant 7 : index
    %get3A_775 = arith.constant 0 : index
    %get3A_776 = arith.constant 7 : index
    %get3A_777 = vector.load %arg4[%get3A_774, %get3A_775, %get3A_776] : memref<8x1x128xf32, #tpu.memory_space<vmem>>, vector<1x1x1xf32>
    %get3A_778 = vector.extract %get3A_777[0, 0, 0] : f32 from vector<1x1x1xf32>
    %slice3A_779 = vector.extract_strided_slice %get3A_1 {offsets = [1, 0], sizes = [1, 2048], strides = [1, 1]} : vector<3x2048xf32> to vector<1x2048xf32>
    %mul3A_780 = vector.broadcast %get3A_778 : f32 to vector<1x2048xf32>
    %mul3A_781 = arith.mulf %mul3A_780, %slice3A_779 : vector<1x2048xf32>
    %add3A_782 = arith.addf %mul3A_773, %mul3A_781 : vector<1x2048xf32>
    %get3A_783 = arith.constant 7 : index
    %get3A_784 = arith.constant 0 : index
    %get3A_785 = arith.constant 8 : index
    %get3A_786 = vector.load %arg4[%get3A_783, %get3A_784, %get3A_785] : memref<8x1x128xf32, #tpu.memory_space<vmem>>, vector<1x1x1xf32>
    %get3A_787 = vector.extract %get3A_786[0, 0, 0] : f32 from vector<1x1x1xf32>
    %slice3A_788 = vector.extract_strided_slice %get3A_1 {offsets = [2, 0], sizes = [1, 2048], strides = [1, 1]} : vector<3x2048xf32> to vector<1x2048xf32>
    %mul3A_789 = vector.broadcast %get3A_787 : f32 to vector<1x2048xf32>
    %mul3A_790 = arith.mulf %mul3A_789, %slice3A_788 : vector<1x2048xf32>
    %add3A_791 = arith.addf %add3A_782, %mul3A_790 : vector<1x2048xf32>
    %eq3A_792 = arith.constant 7 : i32
    %eq3A_793 = vector.broadcast %eq3A_792 : i32 to vector<1x2048xi32>
    %eq3A_794 = arith.cmpi eq, %get3A_7, %eq3A_793 : vector<1x2048xi32>
    %jit3A_795 = arith.constant 0.000000e+00 : f32
    %broadcast_in_dim3A_796 = vector.broadcast %jit3A_795 : f32 to vector<1x2048xf32>
    %select_n3A_797 = arith.select %eq3A_794, %add3A_791, %broadcast_in_dim3A_796 : vector<1x2048xi1>, vector<1x2048xf32>
    %add3A_798 = arith.addf %add3A_765, %select_n3A_797 : vector<1x2048xf32>
    %iota3A = tpu.iota {dimensions = array<i32: 0>} : vector<24x2048xi32>
    %convert_element_type3A = arith.sitofp %iota3A : vector<24x2048xi32> to vector<24x2048xf32>
    %sub3A = arith.constant 1.200000e+01 : f32
    %sub3A_799 = vector.broadcast %sub3A : f32 to vector<24x2048xf32>
    %sub3A_800 = arith.subf %convert_element_type3A, %sub3A_799 : vector<24x2048xf32>
    %mul3A_801 = vector.broadcast %add3A_266 : vector<1x2048xf32> to vector<24x2048xf32>
    %mul3A_802 = arith.mulf %sub3A_800, %mul3A_801 : vector<24x2048xf32>
    %mul3A_803 = vector.broadcast %add3A_532 : vector<1x2048xf32> to vector<24x2048xf32>
    %mul3A_804 = arith.mulf %sub3A_800, %mul3A_803 : vector<24x2048xf32>
    %mul3A_805 = vector.broadcast %add3A_798 : vector<1x2048xf32> to vector<24x2048xf32>
    %mul3A_806 = arith.mulf %sub3A_800, %mul3A_805 : vector<24x2048xf32>
    %cos3A = math.cos %mul3A_802 : vector<24x2048xf32>
    %sin3A = math.sin %mul3A_802 : vector<24x2048xf32>
    %cos3A_807 = math.cos %mul3A_804 : vector<24x2048xf32>
    %sin3A_808 = math.sin %mul3A_804 : vector<24x2048xf32>
    %cos3A_809 = math.cos %mul3A_806 : vector<24x2048xf32>
    %sin3A_810 = math.sin %mul3A_806 : vector<24x2048xf32>
    %iota3A_811 = tpu.iota {dimensions = array<i32: 0>} : vector<8x2048xi32>
    %eq3A_812 = vector.broadcast %get3A_7 : vector<1x2048xi32> to vector<8x2048xi32>
    %eq3A_813 = arith.cmpi eq, %eq3A_812, %iota3A_811 : vector<8x2048xi32>
    %jit3A_814 = arith.constant 0.000000e+00 : f32
    %broadcast_in_dim3A_815 = vector.shape_cast %get3A_4 : vector<1x2048xf32> to vector<1x2048xf32>
    %broadcast_in_dim3A_816 = vector.broadcast %broadcast_in_dim3A_815 : vector<1x2048xf32> to vector<8x2048xf32>
    %broadcast_in_dim3A_817 = vector.broadcast %jit3A_814 : f32 to vector<8x2048xf32>
    %select_n3A_818 = arith.select %eq3A_813, %broadcast_in_dim3A_816, %broadcast_in_dim3A_817 : vector<8x2048xi1>, vector<8x2048xf32>
    %slice3A_819 = vector.extract_strided_slice %select_n3A_818 {offsets = [0, 0], sizes = [1, 2048], strides = [1, 1]} : vector<8x2048xf32> to vector<1x2048xf32>
    %mul3A_820 = vector.broadcast %slice3A_819 : vector<1x2048xf32> to vector<24x2048xf32>
    %mul3A_821 = arith.mulf %mul3A_820, %cos3A : vector<24x2048xf32>
    %slice3A_822 = vector.extract_strided_slice %select_n3A_818 {offsets = [1, 0], sizes = [1, 2048], strides = [1, 1]} : vector<8x2048xf32> to vector<1x2048xf32>
    %mul3A_823 = vector.broadcast %slice3A_822 : vector<1x2048xf32> to vector<24x2048xf32>
    %mul3A_824 = arith.mulf %mul3A_823, %cos3A : vector<24x2048xf32>
    %slice3A_825 = vector.extract_strided_slice %select_n3A_818 {offsets = [2, 0], sizes = [1, 2048], strides = [1, 1]} : vector<8x2048xf32> to vector<1x2048xf32>
    %mul3A_826 = vector.broadcast %slice3A_825 : vector<1x2048xf32> to vector<24x2048xf32>
    %mul3A_827 = arith.mulf %mul3A_826, %cos3A : vector<24x2048xf32>
    %slice3A_828 = vector.extract_strided_slice %select_n3A_818 {offsets = [3, 0], sizes = [1, 2048], strides = [1, 1]} : vector<8x2048xf32> to vector<1x2048xf32>
    %mul3A_829 = vector.broadcast %slice3A_828 : vector<1x2048xf32> to vector<24x2048xf32>
    %mul3A_830 = arith.mulf %mul3A_829, %cos3A : vector<24x2048xf32>
    %slice3A_831 = vector.extract_strided_slice %select_n3A_818 {offsets = [4, 0], sizes = [1, 2048], strides = [1, 1]} : vector<8x2048xf32> to vector<1x2048xf32>
    %mul3A_832 = vector.broadcast %slice3A_831 : vector<1x2048xf32> to vector<24x2048xf32>
    %mul3A_833 = arith.mulf %mul3A_832, %cos3A : vector<24x2048xf32>
    %slice3A_834 = vector.extract_strided_slice %select_n3A_818 {offsets = [5, 0], sizes = [1, 2048], strides = [1, 1]} : vector<8x2048xf32> to vector<1x2048xf32>
    %mul3A_835 = vector.broadcast %slice3A_834 : vector<1x2048xf32> to vector<24x2048xf32>
    %mul3A_836 = arith.mulf %mul3A_835, %cos3A : vector<24x2048xf32>
    %slice3A_837 = vector.extract_strided_slice %select_n3A_818 {offsets = [6, 0], sizes = [1, 2048], strides = [1, 1]} : vector<8x2048xf32> to vector<1x2048xf32>
    %mul3A_838 = vector.broadcast %slice3A_837 : vector<1x2048xf32> to vector<24x2048xf32>
    %mul3A_839 = arith.mulf %mul3A_838, %cos3A : vector<24x2048xf32>
    %slice3A_840 = vector.extract_strided_slice %select_n3A_818 {offsets = [7, 0], sizes = [1, 2048], strides = [1, 1]} : vector<8x2048xf32> to vector<1x2048xf32>
    %mul3A_841 = vector.broadcast %slice3A_840 : vector<1x2048xf32> to vector<24x2048xf32>
    %mul3A_842 = arith.mulf %mul3A_841, %cos3A : vector<24x2048xf32>
    %concatenate3A = tpu.concatenate %mul3A_821, %mul3A_824, %mul3A_827, %mul3A_830, %mul3A_833, %mul3A_836, %mul3A_839, %mul3A_842 in 0 : vector<24x2048xf32>, vector<24x2048xf32>, vector<24x2048xf32>, vector<24x2048xf32>, vector<24x2048xf32>, vector<24x2048xf32>, vector<24x2048xf32>, vector<24x2048xf32> -> vector<192x2048xf32>
    %slice3A_843 = vector.extract_strided_slice %select_n3A_818 {offsets = [0, 0], sizes = [1, 2048], strides = [1, 1]} : vector<8x2048xf32> to vector<1x2048xf32>
    %mul3A_844 = vector.broadcast %slice3A_843 : vector<1x2048xf32> to vector<24x2048xf32>
    %mul3A_845 = arith.mulf %mul3A_844, %sin3A : vector<24x2048xf32>
    %slice3A_846 = vector.extract_strided_slice %select_n3A_818 {offsets = [1, 0], sizes = [1, 2048], strides = [1, 1]} : vector<8x2048xf32> to vector<1x2048xf32>
    %mul3A_847 = vector.broadcast %slice3A_846 : vector<1x2048xf32> to vector<24x2048xf32>
    %mul3A_848 = arith.mulf %mul3A_847, %sin3A : vector<24x2048xf32>
    %slice3A_849 = vector.extract_strided_slice %select_n3A_818 {offsets = [2, 0], sizes = [1, 2048], strides = [1, 1]} : vector<8x2048xf32> to vector<1x2048xf32>
    %mul3A_850 = vector.broadcast %slice3A_849 : vector<1x2048xf32> to vector<24x2048xf32>
    %mul3A_851 = arith.mulf %mul3A_850, %sin3A : vector<24x2048xf32>
    %slice3A_852 = vector.extract_strided_slice %select_n3A_818 {offsets = [3, 0], sizes = [1, 2048], strides = [1, 1]} : vector<8x2048xf32> to vector<1x2048xf32>
    %mul3A_853 = vector.broadcast %slice3A_852 : vector<1x2048xf32> to vector<24x2048xf32>
    %mul3A_854 = arith.mulf %mul3A_853, %sin3A : vector<24x2048xf32>
    %slice3A_855 = vector.extract_strided_slice %select_n3A_818 {offsets = [4, 0], sizes = [1, 2048], strides = [1, 1]} : vector<8x2048xf32> to vector<1x2048xf32>
    %mul3A_856 = vector.broadcast %slice3A_855 : vector<1x2048xf32> to vector<24x2048xf32>
    %mul3A_857 = arith.mulf %mul3A_856, %sin3A : vector<24x2048xf32>
    %slice3A_858 = vector.extract_strided_slice %select_n3A_818 {offsets = [5, 0], sizes = [1, 2048], strides = [1, 1]} : vector<8x2048xf32> to vector<1x2048xf32>
    %mul3A_859 = vector.broadcast %slice3A_858 : vector<1x2048xf32> to vector<24x2048xf32>
    %mul3A_860 = arith.mulf %mul3A_859, %sin3A : vector<24x2048xf32>
    %slice3A_861 = vector.extract_strided_slice %select_n3A_818 {offsets = [6, 0], sizes = [1, 2048], strides = [1, 1]} : vector<8x2048xf32> to vector<1x2048xf32>
    %mul3A_862 = vector.broadcast %slice3A_861 : vector<1x2048xf32> to vector<24x2048xf32>
    %mul3A_863 = arith.mulf %mul3A_862, %sin3A : vector<24x2048xf32>
    %slice3A_864 = vector.extract_strided_slice %select_n3A_818 {offsets = [7, 0], sizes = [1, 2048], strides = [1, 1]} : vector<8x2048xf32> to vector<1x2048xf32>
    %mul3A_865 = vector.broadcast %slice3A_864 : vector<1x2048xf32> to vector<24x2048xf32>
    %mul3A_866 = arith.mulf %mul3A_865, %sin3A : vector<24x2048xf32>
    %concatenate3A_867 = tpu.concatenate %mul3A_845, %mul3A_848, %mul3A_851, %mul3A_854, %mul3A_857, %mul3A_860, %mul3A_863, %mul3A_866 in 0 : vector<24x2048xf32>, vector<24x2048xf32>, vector<24x2048xf32>, vector<24x2048xf32>, vector<24x2048xf32>, vector<24x2048xf32>, vector<24x2048xf32>, vector<24x2048xf32> -> vector<192x2048xf32>
    %slice3A_868 = vector.extract_strided_slice %cos3A_807 {offsets = [0, 0], sizes = [1, 2048], strides = [1, 1]} : vector<24x2048xf32> to vector<1x2048xf32>
    %mul3A_869 = vector.broadcast %slice3A_868 : vector<1x2048xf32> to vector<24x2048xf32>
    %mul3A_870 = arith.mulf %mul3A_869, %cos3A_809 : vector<24x2048xf32>
    %slice3A_871 = vector.extract_strided_slice %sin3A_808 {offsets = [0, 0], sizes = [1, 2048], strides = [1, 1]} : vector<24x2048xf32> to vector<1x2048xf32>
    %mul3A_872 = vector.broadcast %slice3A_871 : vector<1x2048xf32> to vector<24x2048xf32>
    %mul3A_873 = arith.mulf %mul3A_872, %sin3A_810 : vector<24x2048xf32>
    %sub3A_874 = arith.subf %mul3A_870, %mul3A_873 : vector<24x2048xf32>
    %slice3A_875 = vector.extract_strided_slice %cos3A_807 {offsets = [1, 0], sizes = [1, 2048], strides = [1, 1]} : vector<24x2048xf32> to vector<1x2048xf32>
    %mul3A_876 = vector.broadcast %slice3A_875 : vector<1x2048xf32> to vector<24x2048xf32>
    %mul3A_877 = arith.mulf %mul3A_876, %cos3A_809 : vector<24x2048xf32>
    %slice3A_878 = vector.extract_strided_slice %sin3A_808 {offsets = [1, 0], sizes = [1, 2048], strides = [1, 1]} : vector<24x2048xf32> to vector<1x2048xf32>
    %mul3A_879 = vector.broadcast %slice3A_878 : vector<1x2048xf32> to vector<24x2048xf32>
    %mul3A_880 = arith.mulf %mul3A_879, %sin3A_810 : vector<24x2048xf32>
    %sub3A_881 = arith.subf %mul3A_877, %mul3A_880 : vector<24x2048xf32>
    %slice3A_882 = vector.extract_strided_slice %cos3A_807 {offsets = [2, 0], sizes = [1, 2048], strides = [1, 1]} : vector<24x2048xf32> to vector<1x2048xf32>
    %mul3A_883 = vector.broadcast %slice3A_882 : vector<1x2048xf32> to vector<24x2048xf32>
    %mul3A_884 = arith.mulf %mul3A_883, %cos3A_809 : vector<24x2048xf32>
    %slice3A_885 = vector.extract_strided_slice %sin3A_808 {offsets = [2, 0], sizes = [1, 2048], strides = [1, 1]} : vector<24x2048xf32> to vector<1x2048xf32>
    %mul3A_886 = vector.broadcast %slice3A_885 : vector<1x2048xf32> to vector<24x2048xf32>
    %mul3A_887 = arith.mulf %mul3A_886, %sin3A_810 : vector<24x2048xf32>
    %sub3A_888 = arith.subf %mul3A_884, %mul3A_887 : vector<24x2048xf32>
    %slice3A_889 = vector.extract_strided_slice %cos3A_807 {offsets = [3, 0], sizes = [1, 2048], strides = [1, 1]} : vector<24x2048xf32> to vector<1x2048xf32>
    %mul3A_890 = vector.broadcast %slice3A_889 : vector<1x2048xf32> to vector<24x2048xf32>
    %mul3A_891 = arith.mulf %mul3A_890, %cos3A_809 : vector<24x2048xf32>
    %slice3A_892 = vector.extract_strided_slice %sin3A_808 {offsets = [3, 0], sizes = [1, 2048], strides = [1, 1]} : vector<24x2048xf32> to vector<1x2048xf32>
    %mul3A_893 = vector.broadcast %slice3A_892 : vector<1x2048xf32> to vector<24x2048xf32>
    %mul3A_894 = arith.mulf %mul3A_893, %sin3A_810 : vector<24x2048xf32>
    %sub3A_895 = arith.subf %mul3A_891, %mul3A_894 : vector<24x2048xf32>
    %slice3A_896 = vector.extract_strided_slice %cos3A_807 {offsets = [4, 0], sizes = [1, 2048], strides = [1, 1]} : vector<24x2048xf32> to vector<1x2048xf32>
    %mul3A_897 = vector.broadcast %slice3A_896 : vector<1x2048xf32> to vector<24x2048xf32>
    %mul3A_898 = arith.mulf %mul3A_897, %cos3A_809 : vector<24x2048xf32>
    %slice3A_899 = vector.extract_strided_slice %sin3A_808 {offsets = [4, 0], sizes = [1, 2048], strides = [1, 1]} : vector<24x2048xf32> to vector<1x2048xf32>
    %mul3A_900 = vector.broadcast %slice3A_899 : vector<1x2048xf32> to vector<24x2048xf32>
    %mul3A_901 = arith.mulf %mul3A_900, %sin3A_810 : vector<24x2048xf32>
    %sub3A_902 = arith.subf %mul3A_898, %mul3A_901 : vector<24x2048xf32>
    %slice3A_903 = vector.extract_strided_slice %cos3A_807 {offsets = [5, 0], sizes = [1, 2048], strides = [1, 1]} : vector<24x2048xf32> to vector<1x2048xf32>
    %mul3A_904 = vector.broadcast %slice3A_903 : vector<1x2048xf32> to vector<24x2048xf32>
    %mul3A_905 = arith.mulf %mul3A_904, %cos3A_809 : vector<24x2048xf32>
    %slice3A_906 = vector.extract_strided_slice %sin3A_808 {offsets = [5, 0], sizes = [1, 2048], strides = [1, 1]} : vector<24x2048xf32> to vector<1x2048xf32>
    %mul3A_907 = vector.broadcast %slice3A_906 : vector<1x2048xf32> to vector<24x2048xf32>
    %mul3A_908 = arith.mulf %mul3A_907, %sin3A_810 : vector<24x2048xf32>
    %sub3A_909 = arith.subf %mul3A_905, %mul3A_908 : vector<24x2048xf32>
    %slice3A_910 = vector.extract_strided_slice %cos3A_807 {offsets = [6, 0], sizes = [1, 2048], strides = [1, 1]} : vector<24x2048xf32> to vector<1x2048xf32>
    %mul3A_911 = vector.broadcast %slice3A_910 : vector<1x2048xf32> to vector<24x2048xf32>
    %mul3A_912 = arith.mulf %mul3A_911, %cos3A_809 : vector<24x2048xf32>
    %slice3A_913 = vector.extract_strided_slice %sin3A_808 {offsets = [6, 0], sizes = [1, 2048], strides = [1, 1]} : vector<24x2048xf32> to vector<1x2048xf32>
    %mul3A_914 = vector.broadcast %slice3A_913 : vector<1x2048xf32> to vector<24x2048xf32>
    %mul3A_915 = arith.mulf %mul3A_914, %sin3A_810 : vector<24x2048xf32>
    %sub3A_916 = arith.subf %mul3A_912, %mul3A_915 : vector<24x2048xf32>
    %slice3A_917 = vector.extract_strided_slice %cos3A_807 {offsets = [7, 0], sizes = [1, 2048], strides = [1, 1]} : vector<24x2048xf32> to vector<1x2048xf32>
    %mul3A_918 = vector.broadcast %slice3A_917 : vector<1x2048xf32> to vector<24x2048xf32>
    %mul3A_919 = arith.mulf %mul3A_918, %cos3A_809 : vector<24x2048xf32>
    %slice3A_920 = vector.extract_strided_slice %sin3A_808 {offsets = [7, 0], sizes = [1, 2048], strides = [1, 1]} : vector<24x2048xf32> to vector<1x2048xf32>
    %mul3A_921 = vector.broadcast %slice3A_920 : vector<1x2048xf32> to vector<24x2048xf32>
    %mul3A_922 = arith.mulf %mul3A_921, %sin3A_810 : vector<24x2048xf32>
    %sub3A_923 = arith.subf %mul3A_919, %mul3A_922 : vector<24x2048xf32>
    %slice3A_924 = vector.extract_strided_slice %cos3A_807 {offsets = [8, 0], sizes = [1, 2048], strides = [1, 1]} : vector<24x2048xf32> to vector<1x2048xf32>
    %mul3A_925 = vector.broadcast %slice3A_924 : vector<1x2048xf32> to vector<24x2048xf32>
    %mul3A_926 = arith.mulf %mul3A_925, %cos3A_809 : vector<24x2048xf32>
    %slice3A_927 = vector.extract_strided_slice %sin3A_808 {offsets = [8, 0], sizes = [1, 2048], strides = [1, 1]} : vector<24x2048xf32> to vector<1x2048xf32>
    %mul3A_928 = vector.broadcast %slice3A_927 : vector<1x2048xf32> to vector<24x2048xf32>
    %mul3A_929 = arith.mulf %mul3A_928, %sin3A_810 : vector<24x2048xf32>
    %sub3A_930 = arith.subf %mul3A_926, %mul3A_929 : vector<24x2048xf32>
    %slice3A_931 = vector.extract_strided_slice %cos3A_807 {offsets = [9, 0], sizes = [1, 2048], strides = [1, 1]} : vector<24x2048xf32> to vector<1x2048xf32>
    %mul3A_932 = vector.broadcast %slice3A_931 : vector<1x2048xf32> to vector<24x2048xf32>
    %mul3A_933 = arith.mulf %mul3A_932, %cos3A_809 : vector<24x2048xf32>
    %slice3A_934 = vector.extract_strided_slice %sin3A_808 {offsets = [9, 0], sizes = [1, 2048], strides = [1, 1]} : vector<24x2048xf32> to vector<1x2048xf32>
    %mul3A_935 = vector.broadcast %slice3A_934 : vector<1x2048xf32> to vector<24x2048xf32>
    %mul3A_936 = arith.mulf %mul3A_935, %sin3A_810 : vector<24x2048xf32>
    %sub3A_937 = arith.subf %mul3A_933, %mul3A_936 : vector<24x2048xf32>
    %slice3A_938 = vector.extract_strided_slice %cos3A_807 {offsets = [10, 0], sizes = [1, 2048], strides = [1, 1]} : vector<24x2048xf32> to vector<1x2048xf32>
    %mul3A_939 = vector.broadcast %slice3A_938 : vector<1x2048xf32> to vector<24x2048xf32>
    %mul3A_940 = arith.mulf %mul3A_939, %cos3A_809 : vector<24x2048xf32>
    %slice3A_941 = vector.extract_strided_slice %sin3A_808 {offsets = [10, 0], sizes = [1, 2048], strides = [1, 1]} : vector<24x2048xf32> to vector<1x2048xf32>
    %mul3A_942 = vector.broadcast %slice3A_941 : vector<1x2048xf32> to vector<24x2048xf32>
    %mul3A_943 = arith.mulf %mul3A_942, %sin3A_810 : vector<24x2048xf32>
    %sub3A_944 = arith.subf %mul3A_940, %mul3A_943 : vector<24x2048xf32>
    %slice3A_945 = vector.extract_strided_slice %cos3A_807 {offsets = [11, 0], sizes = [1, 2048], strides = [1, 1]} : vector<24x2048xf32> to vector<1x2048xf32>
    %mul3A_946 = vector.broadcast %slice3A_945 : vector<1x2048xf32> to vector<24x2048xf32>
    %mul3A_947 = arith.mulf %mul3A_946, %cos3A_809 : vector<24x2048xf32>
    %slice3A_948 = vector.extract_strided_slice %sin3A_808 {offsets = [11, 0], sizes = [1, 2048], strides = [1, 1]} : vector<24x2048xf32> to vector<1x2048xf32>
    %mul3A_949 = vector.broadcast %slice3A_948 : vector<1x2048xf32> to vector<24x2048xf32>
    %mul3A_950 = arith.mulf %mul3A_949, %sin3A_810 : vector<24x2048xf32>
    %sub3A_951 = arith.subf %mul3A_947, %mul3A_950 : vector<24x2048xf32>
    %slice3A_952 = vector.extract_strided_slice %cos3A_807 {offsets = [12, 0], sizes = [1, 2048], strides = [1, 1]} : vector<24x2048xf32> to vector<1x2048xf32>
    %mul3A_953 = vector.broadcast %slice3A_952 : vector<1x2048xf32> to vector<24x2048xf32>
    %mul3A_954 = arith.mulf %mul3A_953, %cos3A_809 : vector<24x2048xf32>
    %slice3A_955 = vector.extract_strided_slice %sin3A_808 {offsets = [12, 0], sizes = [1, 2048], strides = [1, 1]} : vector<24x2048xf32> to vector<1x2048xf32>
    %mul3A_956 = vector.broadcast %slice3A_955 : vector<1x2048xf32> to vector<24x2048xf32>
    %mul3A_957 = arith.mulf %mul3A_956, %sin3A_810 : vector<24x2048xf32>
    %sub3A_958 = arith.subf %mul3A_954, %mul3A_957 : vector<24x2048xf32>
    %slice3A_959 = vector.extract_strided_slice %cos3A_807 {offsets = [13, 0], sizes = [1, 2048], strides = [1, 1]} : vector<24x2048xf32> to vector<1x2048xf32>
    %mul3A_960 = vector.broadcast %slice3A_959 : vector<1x2048xf32> to vector<24x2048xf32>
    %mul3A_961 = arith.mulf %mul3A_960, %cos3A_809 : vector<24x2048xf32>
    %slice3A_962 = vector.extract_strided_slice %sin3A_808 {offsets = [13, 0], sizes = [1, 2048], strides = [1, 1]} : vector<24x2048xf32> to vector<1x2048xf32>
    %mul3A_963 = vector.broadcast %slice3A_962 : vector<1x2048xf32> to vector<24x2048xf32>
    %mul3A_964 = arith.mulf %mul3A_963, %sin3A_810 : vector<24x2048xf32>
    %sub3A_965 = arith.subf %mul3A_961, %mul3A_964 : vector<24x2048xf32>
    %slice3A_966 = vector.extract_strided_slice %cos3A_807 {offsets = [14, 0], sizes = [1, 2048], strides = [1, 1]} : vector<24x2048xf32> to vector<1x2048xf32>
    %mul3A_967 = vector.broadcast %slice3A_966 : vector<1x2048xf32> to vector<24x2048xf32>
    %mul3A_968 = arith.mulf %mul3A_967, %cos3A_809 : vector<24x2048xf32>
    %slice3A_969 = vector.extract_strided_slice %sin3A_808 {offsets = [14, 0], sizes = [1, 2048], strides = [1, 1]} : vector<24x2048xf32> to vector<1x2048xf32>
    %mul3A_970 = vector.broadcast %slice3A_969 : vector<1x2048xf32> to vector<24x2048xf32>
    %mul3A_971 = arith.mulf %mul3A_970, %sin3A_810 : vector<24x2048xf32>
    %sub3A_972 = arith.subf %mul3A_968, %mul3A_971 : vector<24x2048xf32>
    %slice3A_973 = vector.extract_strided_slice %cos3A_807 {offsets = [15, 0], sizes = [1, 2048], strides = [1, 1]} : vector<24x2048xf32> to vector<1x2048xf32>
    %mul3A_974 = vector.broadcast %slice3A_973 : vector<1x2048xf32> to vector<24x2048xf32>
    %mul3A_975 = arith.mulf %mul3A_974, %cos3A_809 : vector<24x2048xf32>
    %slice3A_976 = vector.extract_strided_slice %sin3A_808 {offsets = [15, 0], sizes = [1, 2048], strides = [1, 1]} : vector<24x2048xf32> to vector<1x2048xf32>
    %mul3A_977 = vector.broadcast %slice3A_976 : vector<1x2048xf32> to vector<24x2048xf32>
    %mul3A_978 = arith.mulf %mul3A_977, %sin3A_810 : vector<24x2048xf32>
    %sub3A_979 = arith.subf %mul3A_975, %mul3A_978 : vector<24x2048xf32>
    %slice3A_980 = vector.extract_strided_slice %cos3A_807 {offsets = [16, 0], sizes = [1, 2048], strides = [1, 1]} : vector<24x2048xf32> to vector<1x2048xf32>
    %mul3A_981 = vector.broadcast %slice3A_980 : vector<1x2048xf32> to vector<24x2048xf32>
    %mul3A_982 = arith.mulf %mul3A_981, %cos3A_809 : vector<24x2048xf32>
    %slice3A_983 = vector.extract_strided_slice %sin3A_808 {offsets = [16, 0], sizes = [1, 2048], strides = [1, 1]} : vector<24x2048xf32> to vector<1x2048xf32>
    %mul3A_984 = vector.broadcast %slice3A_983 : vector<1x2048xf32> to vector<24x2048xf32>
    %mul3A_985 = arith.mulf %mul3A_984, %sin3A_810 : vector<24x2048xf32>
    %sub3A_986 = arith.subf %mul3A_982, %mul3A_985 : vector<24x2048xf32>
    %slice3A_987 = vector.extract_strided_slice %cos3A_807 {offsets = [17, 0], sizes = [1, 2048], strides = [1, 1]} : vector<24x2048xf32> to vector<1x2048xf32>
    %mul3A_988 = vector.broadcast %slice3A_987 : vector<1x2048xf32> to vector<24x2048xf32>
    %mul3A_989 = arith.mulf %mul3A_988, %cos3A_809 : vector<24x2048xf32>
    %slice3A_990 = vector.extract_strided_slice %sin3A_808 {offsets = [17, 0], sizes = [1, 2048], strides = [1, 1]} : vector<24x2048xf32> to vector<1x2048xf32>
    %mul3A_991 = vector.broadcast %slice3A_990 : vector<1x2048xf32> to vector<24x2048xf32>
    %mul3A_992 = arith.mulf %mul3A_991, %sin3A_810 : vector<24x2048xf32>
    %sub3A_993 = arith.subf %mul3A_989, %mul3A_992 : vector<24x2048xf32>
    %slice3A_994 = vector.extract_strided_slice %cos3A_807 {offsets = [18, 0], sizes = [1, 2048], strides = [1, 1]} : vector<24x2048xf32> to vector<1x2048xf32>
    %mul3A_995 = vector.broadcast %slice3A_994 : vector<1x2048xf32> to vector<24x2048xf32>
    %mul3A_996 = arith.mulf %mul3A_995, %cos3A_809 : vector<24x2048xf32>
    %slice3A_997 = vector.extract_strided_slice %sin3A_808 {offsets = [18, 0], sizes = [1, 2048], strides = [1, 1]} : vector<24x2048xf32> to vector<1x2048xf32>
    %mul3A_998 = vector.broadcast %slice3A_997 : vector<1x2048xf32> to vector<24x2048xf32>
    %mul3A_999 = arith.mulf %mul3A_998, %sin3A_810 : vector<24x2048xf32>
    %sub3A_1000 = arith.subf %mul3A_996, %mul3A_999 : vector<24x2048xf32>
    %slice3A_1001 = vector.extract_strided_slice %cos3A_807 {offsets = [19, 0], sizes = [1, 2048], strides = [1, 1]} : vector<24x2048xf32> to vector<1x2048xf32>
    %mul3A_1002 = vector.broadcast %slice3A_1001 : vector<1x2048xf32> to vector<24x2048xf32>
    %mul3A_1003 = arith.mulf %mul3A_1002, %cos3A_809 : vector<24x2048xf32>
    %slice3A_1004 = vector.extract_strided_slice %sin3A_808 {offsets = [19, 0], sizes = [1, 2048], strides = [1, 1]} : vector<24x2048xf32> to vector<1x2048xf32>
    %mul3A_1005 = vector.broadcast %slice3A_1004 : vector<1x2048xf32> to vector<24x2048xf32>
    %mul3A_1006 = arith.mulf %mul3A_1005, %sin3A_810 : vector<24x2048xf32>
    %sub3A_1007 = arith.subf %mul3A_1003, %mul3A_1006 : vector<24x2048xf32>
    %slice3A_1008 = vector.extract_strided_slice %cos3A_807 {offsets = [20, 0], sizes = [1, 2048], strides = [1, 1]} : vector<24x2048xf32> to vector<1x2048xf32>
    %mul3A_1009 = vector.broadcast %slice3A_1008 : vector<1x2048xf32> to vector<24x2048xf32>
    %mul3A_1010 = arith.mulf %mul3A_1009, %cos3A_809 : vector<24x2048xf32>
    %slice3A_1011 = vector.extract_strided_slice %sin3A_808 {offsets = [20, 0], sizes = [1, 2048], strides = [1, 1]} : vector<24x2048xf32> to vector<1x2048xf32>
    %mul3A_1012 = vector.broadcast %slice3A_1011 : vector<1x2048xf32> to vector<24x2048xf32>
    %mul3A_1013 = arith.mulf %mul3A_1012, %sin3A_810 : vector<24x2048xf32>
    %sub3A_1014 = arith.subf %mul3A_1010, %mul3A_1013 : vector<24x2048xf32>
    %slice3A_1015 = vector.extract_strided_slice %cos3A_807 {offsets = [21, 0], sizes = [1, 2048], strides = [1, 1]} : vector<24x2048xf32> to vector<1x2048xf32>
    %mul3A_1016 = vector.broadcast %slice3A_1015 : vector<1x2048xf32> to vector<24x2048xf32>
    %mul3A_1017 = arith.mulf %mul3A_1016, %cos3A_809 : vector<24x2048xf32>
    %slice3A_1018 = vector.extract_strided_slice %sin3A_808 {offsets = [21, 0], sizes = [1, 2048], strides = [1, 1]} : vector<24x2048xf32> to vector<1x2048xf32>
    %mul3A_1019 = vector.broadcast %slice3A_1018 : vector<1x2048xf32> to vector<24x2048xf32>
    %mul3A_1020 = arith.mulf %mul3A_1019, %sin3A_810 : vector<24x2048xf32>
    %sub3A_1021 = arith.subf %mul3A_1017, %mul3A_1020 : vector<24x2048xf32>
    %slice3A_1022 = vector.extract_strided_slice %cos3A_807 {offsets = [22, 0], sizes = [1, 2048], strides = [1, 1]} : vector<24x2048xf32> to vector<1x2048xf32>
    %mul3A_1023 = vector.broadcast %slice3A_1022 : vector<1x2048xf32> to vector<24x2048xf32>
    %mul3A_1024 = arith.mulf %mul3A_1023, %cos3A_809 : vector<24x2048xf32>
    %slice3A_1025 = vector.extract_strided_slice %sin3A_808 {offsets = [22, 0], sizes = [1, 2048], strides = [1, 1]} : vector<24x2048xf32> to vector<1x2048xf32>
    %mul3A_1026 = vector.broadcast %slice3A_1025 : vector<1x2048xf32> to vector<24x2048xf32>
    %mul3A_1027 = arith.mulf %mul3A_1026, %sin3A_810 : vector<24x2048xf32>
    %sub3A_1028 = arith.subf %mul3A_1024, %mul3A_1027 : vector<24x2048xf32>
    %slice3A_1029 = vector.extract_strided_slice %cos3A_807 {offsets = [23, 0], sizes = [1, 2048], strides = [1, 1]} : vector<24x2048xf32> to vector<1x2048xf32>
    %mul3A_1030 = vector.broadcast %slice3A_1029 : vector<1x2048xf32> to vector<24x2048xf32>
    %mul3A_1031 = arith.mulf %mul3A_1030, %cos3A_809 : vector<24x2048xf32>
    %slice3A_1032 = vector.extract_strided_slice %sin3A_808 {offsets = [23, 0], sizes = [1, 2048], strides = [1, 1]} : vector<24x2048xf32> to vector<1x2048xf32>
    %mul3A_1033 = vector.broadcast %slice3A_1032 : vector<1x2048xf32> to vector<24x2048xf32>
    %mul3A_1034 = arith.mulf %mul3A_1033, %sin3A_810 : vector<24x2048xf32>
    %sub3A_1035 = arith.subf %mul3A_1031, %mul3A_1034 : vector<24x2048xf32>
    %concatenate3A_1036 = tpu.concatenate %sub3A_874, %sub3A_881, %sub3A_888, %sub3A_895, %sub3A_902, %sub3A_909, %sub3A_916, %sub3A_923, %sub3A_930, %sub3A_937, %sub3A_944, %sub3A_951, %sub3A_958, %sub3A_965, %sub3A_972, %sub3A_979, %sub3A_986, %sub3A_993, %sub3A_1000, %sub3A_1007, %sub3A_1014, %sub3A_1021, %sub3A_1028, %sub3A_1035 in 0 : vector<24x2048xf32>, vector<24x2048xf32>, vector<24x2048xf32>, vector<24x2048xf32>, vector<24x2048xf32>, vector<24x2048xf32>, vector<24x2048xf32>, vector<24x2048xf32>, vector<24x2048xf32>, vector<24x2048xf32>, vector<24x2048xf32>, vector<24x2048xf32>, vector<24x2048xf32>, vector<24x2048xf32>, vector<24x2048xf32>, vector<24x2048xf32>, vector<24x2048xf32>, vector<24x2048xf32>, vector<24x2048xf32>, vector<24x2048xf32>, vector<24x2048xf32>, vector<24x2048xf32>, vector<24x2048xf32>, vector<24x2048xf32> -> vector<576x2048xf32>
    %slice3A_1037 = vector.extract_strided_slice %sin3A_808 {offsets = [0, 0], sizes = [1, 2048], strides = [1, 1]} : vector<24x2048xf32> to vector<1x2048xf32>
    %mul3A_1038 = vector.broadcast %slice3A_1037 : vector<1x2048xf32> to vector<24x2048xf32>
    %mul3A_1039 = arith.mulf %mul3A_1038, %cos3A_809 : vector<24x2048xf32>
    %slice3A_1040 = vector.extract_strided_slice %cos3A_807 {offsets = [0, 0], sizes = [1, 2048], strides = [1, 1]} : vector<24x2048xf32> to vector<1x2048xf32>
    %mul3A_1041 = vector.broadcast %slice3A_1040 : vector<1x2048xf32> to vector<24x2048xf32>
    %mul3A_1042 = arith.mulf %mul3A_1041, %sin3A_810 : vector<24x2048xf32>
    %add3A_1043 = arith.addf %mul3A_1039, %mul3A_1042 : vector<24x2048xf32>
    %slice3A_1044 = vector.extract_strided_slice %sin3A_808 {offsets = [1, 0], sizes = [1, 2048], strides = [1, 1]} : vector<24x2048xf32> to vector<1x2048xf32>
    %mul3A_1045 = vector.broadcast %slice3A_1044 : vector<1x2048xf32> to vector<24x2048xf32>
    %mul3A_1046 = arith.mulf %mul3A_1045, %cos3A_809 : vector<24x2048xf32>
    %slice3A_1047 = vector.extract_strided_slice %cos3A_807 {offsets = [1, 0], sizes = [1, 2048], strides = [1, 1]} : vector<24x2048xf32> to vector<1x2048xf32>
    %mul3A_1048 = vector.broadcast %slice3A_1047 : vector<1x2048xf32> to vector<24x2048xf32>
    %mul3A_1049 = arith.mulf %mul3A_1048, %sin3A_810 : vector<24x2048xf32>
    %add3A_1050 = arith.addf %mul3A_1046, %mul3A_1049 : vector<24x2048xf32>
    %slice3A_1051 = vector.extract_strided_slice %sin3A_808 {offsets = [2, 0], sizes = [1, 2048], strides = [1, 1]} : vector<24x2048xf32> to vector<1x2048xf32>
    %mul3A_1052 = vector.broadcast %slice3A_1051 : vector<1x2048xf32> to vector<24x2048xf32>
    %mul3A_1053 = arith.mulf %mul3A_1052, %cos3A_809 : vector<24x2048xf32>
    %slice3A_1054 = vector.extract_strided_slice %cos3A_807 {offsets = [2, 0], sizes = [1, 2048], strides = [1, 1]} : vector<24x2048xf32> to vector<1x2048xf32>
    %mul3A_1055 = vector.broadcast %slice3A_1054 : vector<1x2048xf32> to vector<24x2048xf32>
    %mul3A_1056 = arith.mulf %mul3A_1055, %sin3A_810 : vector<24x2048xf32>
    %add3A_1057 = arith.addf %mul3A_1053, %mul3A_1056 : vector<24x2048xf32>
    %slice3A_1058 = vector.extract_strided_slice %sin3A_808 {offsets = [3, 0], sizes = [1, 2048], strides = [1, 1]} : vector<24x2048xf32> to vector<1x2048xf32>
    %mul3A_1059 = vector.broadcast %slice3A_1058 : vector<1x2048xf32> to vector<24x2048xf32>
    %mul3A_1060 = arith.mulf %mul3A_1059, %cos3A_809 : vector<24x2048xf32>
    %slice3A_1061 = vector.extract_strided_slice %cos3A_807 {offsets = [3, 0], sizes = [1, 2048], strides = [1, 1]} : vector<24x2048xf32> to vector<1x2048xf32>
    %mul3A_1062 = vector.broadcast %slice3A_1061 : vector<1x2048xf32> to vector<24x2048xf32>
    %mul3A_1063 = arith.mulf %mul3A_1062, %sin3A_810 : vector<24x2048xf32>
    %add3A_1064 = arith.addf %mul3A_1060, %mul3A_1063 : vector<24x2048xf32>
    %slice3A_1065 = vector.extract_strided_slice %sin3A_808 {offsets = [4, 0], sizes = [1, 2048], strides = [1, 1]} : vector<24x2048xf32> to vector<1x2048xf32>
    %mul3A_1066 = vector.broadcast %slice3A_1065 : vector<1x2048xf32> to vector<24x2048xf32>
    %mul3A_1067 = arith.mulf %mul3A_1066, %cos3A_809 : vector<24x2048xf32>
    %slice3A_1068 = vector.extract_strided_slice %cos3A_807 {offsets = [4, 0], sizes = [1, 2048], strides = [1, 1]} : vector<24x2048xf32> to vector<1x2048xf32>
    %mul3A_1069 = vector.broadcast %slice3A_1068 : vector<1x2048xf32> to vector<24x2048xf32>
    %mul3A_1070 = arith.mulf %mul3A_1069, %sin3A_810 : vector<24x2048xf32>
    %add3A_1071 = arith.addf %mul3A_1067, %mul3A_1070 : vector<24x2048xf32>
    %slice3A_1072 = vector.extract_strided_slice %sin3A_808 {offsets = [5, 0], sizes = [1, 2048], strides = [1, 1]} : vector<24x2048xf32> to vector<1x2048xf32>
    %mul3A_1073 = vector.broadcast %slice3A_1072 : vector<1x2048xf32> to vector<24x2048xf32>
    %mul3A_1074 = arith.mulf %mul3A_1073, %cos3A_809 : vector<24x2048xf32>
    %slice3A_1075 = vector.extract_strided_slice %cos3A_807 {offsets = [5, 0], sizes = [1, 2048], strides = [1, 1]} : vector<24x2048xf32> to vector<1x2048xf32>
    %mul3A_1076 = vector.broadcast %slice3A_1075 : vector<1x2048xf32> to vector<24x2048xf32>
    %mul3A_1077 = arith.mulf %mul3A_1076, %sin3A_810 : vector<24x2048xf32>
    %add3A_1078 = arith.addf %mul3A_1074, %mul3A_1077 : vector<24x2048xf32>
    %slice3A_1079 = vector.extract_strided_slice %sin3A_808 {offsets = [6, 0], sizes = [1, 2048], strides = [1, 1]} : vector<24x2048xf32> to vector<1x2048xf32>
    %mul3A_1080 = vector.broadcast %slice3A_1079 : vector<1x2048xf32> to vector<24x2048xf32>
    %mul3A_1081 = arith.mulf %mul3A_1080, %cos3A_809 : vector<24x2048xf32>
    %slice3A_1082 = vector.extract_strided_slice %cos3A_807 {offsets = [6, 0], sizes = [1, 2048], strides = [1, 1]} : vector<24x2048xf32> to vector<1x2048xf32>
    %mul3A_1083 = vector.broadcast %slice3A_1082 : vector<1x2048xf32> to vector<24x2048xf32>
    %mul3A_1084 = arith.mulf %mul3A_1083, %sin3A_810 : vector<24x2048xf32>
    %add3A_1085 = arith.addf %mul3A_1081, %mul3A_1084 : vector<24x2048xf32>
    %slice3A_1086 = vector.extract_strided_slice %sin3A_808 {offsets = [7, 0], sizes = [1, 2048], strides = [1, 1]} : vector<24x2048xf32> to vector<1x2048xf32>
    %mul3A_1087 = vector.broadcast %slice3A_1086 : vector<1x2048xf32> to vector<24x2048xf32>
    %mul3A_1088 = arith.mulf %mul3A_1087, %cos3A_809 : vector<24x2048xf32>
    %slice3A_1089 = vector.extract_strided_slice %cos3A_807 {offsets = [7, 0], sizes = [1, 2048], strides = [1, 1]} : vector<24x2048xf32> to vector<1x2048xf32>
    %mul3A_1090 = vector.broadcast %slice3A_1089 : vector<1x2048xf32> to vector<24x2048xf32>
    %mul3A_1091 = arith.mulf %mul3A_1090, %sin3A_810 : vector<24x2048xf32>
    %add3A_1092 = arith.addf %mul3A_1088, %mul3A_1091 : vector<24x2048xf32>
    %slice3A_1093 = vector.extract_strided_slice %sin3A_808 {offsets = [8, 0], sizes = [1, 2048], strides = [1, 1]} : vector<24x2048xf32> to vector<1x2048xf32>
    %mul3A_1094 = vector.broadcast %slice3A_1093 : vector<1x2048xf32> to vector<24x2048xf32>
    %mul3A_1095 = arith.mulf %mul3A_1094, %cos3A_809 : vector<24x2048xf32>
    %slice3A_1096 = vector.extract_strided_slice %cos3A_807 {offsets = [8, 0], sizes = [1, 2048], strides = [1, 1]} : vector<24x2048xf32> to vector<1x2048xf32>
    %mul3A_1097 = vector.broadcast %slice3A_1096 : vector<1x2048xf32> to vector<24x2048xf32>
    %mul3A_1098 = arith.mulf %mul3A_1097, %sin3A_810 : vector<24x2048xf32>
    %add3A_1099 = arith.addf %mul3A_1095, %mul3A_1098 : vector<24x2048xf32>
    %slice3A_1100 = vector.extract_strided_slice %sin3A_808 {offsets = [9, 0], sizes = [1, 2048], strides = [1, 1]} : vector<24x2048xf32> to vector<1x2048xf32>
    %mul3A_1101 = vector.broadcast %slice3A_1100 : vector<1x2048xf32> to vector<24x2048xf32>
    %mul3A_1102 = arith.mulf %mul3A_1101, %cos3A_809 : vector<24x2048xf32>
    %slice3A_1103 = vector.extract_strided_slice %cos3A_807 {offsets = [9, 0], sizes = [1, 2048], strides = [1, 1]} : vector<24x2048xf32> to vector<1x2048xf32>
    %mul3A_1104 = vector.broadcast %slice3A_1103 : vector<1x2048xf32> to vector<24x2048xf32>
    %mul3A_1105 = arith.mulf %mul3A_1104, %sin3A_810 : vector<24x2048xf32>
    %add3A_1106 = arith.addf %mul3A_1102, %mul3A_1105 : vector<24x2048xf32>
    %slice3A_1107 = vector.extract_strided_slice %sin3A_808 {offsets = [10, 0], sizes = [1, 2048], strides = [1, 1]} : vector<24x2048xf32> to vector<1x2048xf32>
    %mul3A_1108 = vector.broadcast %slice3A_1107 : vector<1x2048xf32> to vector<24x2048xf32>
    %mul3A_1109 = arith.mulf %mul3A_1108, %cos3A_809 : vector<24x2048xf32>
    %slice3A_1110 = vector.extract_strided_slice %cos3A_807 {offsets = [10, 0], sizes = [1, 2048], strides = [1, 1]} : vector<24x2048xf32> to vector<1x2048xf32>
    %mul3A_1111 = vector.broadcast %slice3A_1110 : vector<1x2048xf32> to vector<24x2048xf32>
    %mul3A_1112 = arith.mulf %mul3A_1111, %sin3A_810 : vector<24x2048xf32>
    %add3A_1113 = arith.addf %mul3A_1109, %mul3A_1112 : vector<24x2048xf32>
    %slice3A_1114 = vector.extract_strided_slice %sin3A_808 {offsets = [11, 0], sizes = [1, 2048], strides = [1, 1]} : vector<24x2048xf32> to vector<1x2048xf32>
    %mul3A_1115 = vector.broadcast %slice3A_1114 : vector<1x2048xf32> to vector<24x2048xf32>
    %mul3A_1116 = arith.mulf %mul3A_1115, %cos3A_809 : vector<24x2048xf32>
    %slice3A_1117 = vector.extract_strided_slice %cos3A_807 {offsets = [11, 0], sizes = [1, 2048], strides = [1, 1]} : vector<24x2048xf32> to vector<1x2048xf32>
    %mul3A_1118 = vector.broadcast %slice3A_1117 : vector<1x2048xf32> to vector<24x2048xf32>
    %mul3A_1119 = arith.mulf %mul3A_1118, %sin3A_810 : vector<24x2048xf32>
    %add3A_1120 = arith.addf %mul3A_1116, %mul3A_1119 : vector<24x2048xf32>
    %slice3A_1121 = vector.extract_strided_slice %sin3A_808 {offsets = [12, 0], sizes = [1, 2048], strides = [1, 1]} : vector<24x2048xf32> to vector<1x2048xf32>
    %mul3A_1122 = vector.broadcast %slice3A_1121 : vector<1x2048xf32> to vector<24x2048xf32>
    %mul3A_1123 = arith.mulf %mul3A_1122, %cos3A_809 : vector<24x2048xf32>
    %slice3A_1124 = vector.extract_strided_slice %cos3A_807 {offsets = [12, 0], sizes = [1, 2048], strides = [1, 1]} : vector<24x2048xf32> to vector<1x2048xf32>
    %mul3A_1125 = vector.broadcast %slice3A_1124 : vector<1x2048xf32> to vector<24x2048xf32>
    %mul3A_1126 = arith.mulf %mul3A_1125, %sin3A_810 : vector<24x2048xf32>
    %add3A_1127 = arith.addf %mul3A_1123, %mul3A_1126 : vector<24x2048xf32>
    %slice3A_1128 = vector.extract_strided_slice %sin3A_808 {offsets = [13, 0], sizes = [1, 2048], strides = [1, 1]} : vector<24x2048xf32> to vector<1x2048xf32>
    %mul3A_1129 = vector.broadcast %slice3A_1128 : vector<1x2048xf32> to vector<24x2048xf32>
    %mul3A_1130 = arith.mulf %mul3A_1129, %cos3A_809 : vector<24x2048xf32>
    %slice3A_1131 = vector.extract_strided_slice %cos3A_807 {offsets = [13, 0], sizes = [1, 2048], strides = [1, 1]} : vector<24x2048xf32> to vector<1x2048xf32>
    %mul3A_1132 = vector.broadcast %slice3A_1131 : vector<1x2048xf32> to vector<24x2048xf32>
    %mul3A_1133 = arith.mulf %mul3A_1132, %sin3A_810 : vector<24x2048xf32>
    %add3A_1134 = arith.addf %mul3A_1130, %mul3A_1133 : vector<24x2048xf32>
    %slice3A_1135 = vector.extract_strided_slice %sin3A_808 {offsets = [14, 0], sizes = [1, 2048], strides = [1, 1]} : vector<24x2048xf32> to vector<1x2048xf32>
    %mul3A_1136 = vector.broadcast %slice3A_1135 : vector<1x2048xf32> to vector<24x2048xf32>
    %mul3A_1137 = arith.mulf %mul3A_1136, %cos3A_809 : vector<24x2048xf32>
    %slice3A_1138 = vector.extract_strided_slice %cos3A_807 {offsets = [14, 0], sizes = [1, 2048], strides = [1, 1]} : vector<24x2048xf32> to vector<1x2048xf32>
    %mul3A_1139 = vector.broadcast %slice3A_1138 : vector<1x2048xf32> to vector<24x2048xf32>
    %mul3A_1140 = arith.mulf %mul3A_1139, %sin3A_810 : vector<24x2048xf32>
    %add3A_1141 = arith.addf %mul3A_1137, %mul3A_1140 : vector<24x2048xf32>
    %slice3A_1142 = vector.extract_strided_slice %sin3A_808 {offsets = [15, 0], sizes = [1, 2048], strides = [1, 1]} : vector<24x2048xf32> to vector<1x2048xf32>
    %mul3A_1143 = vector.broadcast %slice3A_1142 : vector<1x2048xf32> to vector<24x2048xf32>
    %mul3A_1144 = arith.mulf %mul3A_1143, %cos3A_809 : vector<24x2048xf32>
    %slice3A_1145 = vector.extract_strided_slice %cos3A_807 {offsets = [15, 0], sizes = [1, 2048], strides = [1, 1]} : vector<24x2048xf32> to vector<1x2048xf32>
    %mul3A_1146 = vector.broadcast %slice3A_1145 : vector<1x2048xf32> to vector<24x2048xf32>
    %mul3A_1147 = arith.mulf %mul3A_1146, %sin3A_810 : vector<24x2048xf32>
    %add3A_1148 = arith.addf %mul3A_1144, %mul3A_1147 : vector<24x2048xf32>
    %slice3A_1149 = vector.extract_strided_slice %sin3A_808 {offsets = [16, 0], sizes = [1, 2048], strides = [1, 1]} : vector<24x2048xf32> to vector<1x2048xf32>
    %mul3A_1150 = vector.broadcast %slice3A_1149 : vector<1x2048xf32> to vector<24x2048xf32>
    %mul3A_1151 = arith.mulf %mul3A_1150, %cos3A_809 : vector<24x2048xf32>
    %slice3A_1152 = vector.extract_strided_slice %cos3A_807 {offsets = [16, 0], sizes = [1, 2048], strides = [1, 1]} : vector<24x2048xf32> to vector<1x2048xf32>
    %mul3A_1153 = vector.broadcast %slice3A_1152 : vector<1x2048xf32> to vector<24x2048xf32>
    %mul3A_1154 = arith.mulf %mul3A_1153, %sin3A_810 : vector<24x2048xf32>
    %add3A_1155 = arith.addf %mul3A_1151, %mul3A_1154 : vector<24x2048xf32>
    %slice3A_1156 = vector.extract_strided_slice %sin3A_808 {offsets = [17, 0], sizes = [1, 2048], strides = [1, 1]} : vector<24x2048xf32> to vector<1x2048xf32>
    %mul3A_1157 = vector.broadcast %slice3A_1156 : vector<1x2048xf32> to vector<24x2048xf32>
    %mul3A_1158 = arith.mulf %mul3A_1157, %cos3A_809 : vector<24x2048xf32>
    %slice3A_1159 = vector.extract_strided_slice %cos3A_807 {offsets = [17, 0], sizes = [1, 2048], strides = [1, 1]} : vector<24x2048xf32> to vector<1x2048xf32>
    %mul3A_1160 = vector.broadcast %slice3A_1159 : vector<1x2048xf32> to vector<24x2048xf32>
    %mul3A_1161 = arith.mulf %mul3A_1160, %sin3A_810 : vector<24x2048xf32>
    %add3A_1162 = arith.addf %mul3A_1158, %mul3A_1161 : vector<24x2048xf32>
    %slice3A_1163 = vector.extract_strided_slice %sin3A_808 {offsets = [18, 0], sizes = [1, 2048], strides = [1, 1]} : vector<24x2048xf32> to vector<1x2048xf32>
    %mul3A_1164 = vector.broadcast %slice3A_1163 : vector<1x2048xf32> to vector<24x2048xf32>
    %mul3A_1165 = arith.mulf %mul3A_1164, %cos3A_809 : vector<24x2048xf32>
    %slice3A_1166 = vector.extract_strided_slice %cos3A_807 {offsets = [18, 0], sizes = [1, 2048], strides = [1, 1]} : vector<24x2048xf32> to vector<1x2048xf32>
    %mul3A_1167 = vector.broadcast %slice3A_1166 : vector<1x2048xf32> to vector<24x2048xf32>
    %mul3A_1168 = arith.mulf %mul3A_1167, %sin3A_810 : vector<24x2048xf32>
    %add3A_1169 = arith.addf %mul3A_1165, %mul3A_1168 : vector<24x2048xf32>
    %slice3A_1170 = vector.extract_strided_slice %sin3A_808 {offsets = [19, 0], sizes = [1, 2048], strides = [1, 1]} : vector<24x2048xf32> to vector<1x2048xf32>
    %mul3A_1171 = vector.broadcast %slice3A_1170 : vector<1x2048xf32> to vector<24x2048xf32>
    %mul3A_1172 = arith.mulf %mul3A_1171, %cos3A_809 : vector<24x2048xf32>
    %slice3A_1173 = vector.extract_strided_slice %cos3A_807 {offsets = [19, 0], sizes = [1, 2048], strides = [1, 1]} : vector<24x2048xf32> to vector<1x2048xf32>
    %mul3A_1174 = vector.broadcast %slice3A_1173 : vector<1x2048xf32> to vector<24x2048xf32>
    %mul3A_1175 = arith.mulf %mul3A_1174, %sin3A_810 : vector<24x2048xf32>
    %add3A_1176 = arith.addf %mul3A_1172, %mul3A_1175 : vector<24x2048xf32>
    %slice3A_1177 = vector.extract_strided_slice %sin3A_808 {offsets = [20, 0], sizes = [1, 2048], strides = [1, 1]} : vector<24x2048xf32> to vector<1x2048xf32>
    %mul3A_1178 = vector.broadcast %slice3A_1177 : vector<1x2048xf32> to vector<24x2048xf32>
    %mul3A_1179 = arith.mulf %mul3A_1178, %cos3A_809 : vector<24x2048xf32>
    %slice3A_1180 = vector.extract_strided_slice %cos3A_807 {offsets = [20, 0], sizes = [1, 2048], strides = [1, 1]} : vector<24x2048xf32> to vector<1x2048xf32>
    %mul3A_1181 = vector.broadcast %slice3A_1180 : vector<1x2048xf32> to vector<24x2048xf32>
    %mul3A_1182 = arith.mulf %mul3A_1181, %sin3A_810 : vector<24x2048xf32>
    %add3A_1183 = arith.addf %mul3A_1179, %mul3A_1182 : vector<24x2048xf32>
    %slice3A_1184 = vector.extract_strided_slice %sin3A_808 {offsets = [21, 0], sizes = [1, 2048], strides = [1, 1]} : vector<24x2048xf32> to vector<1x2048xf32>
    %mul3A_1185 = vector.broadcast %slice3A_1184 : vector<1x2048xf32> to vector<24x2048xf32>
    %mul3A_1186 = arith.mulf %mul3A_1185, %cos3A_809 : vector<24x2048xf32>
    %slice3A_1187 = vector.extract_strided_slice %cos3A_807 {offsets = [21, 0], sizes = [1, 2048], strides = [1, 1]} : vector<24x2048xf32> to vector<1x2048xf32>
    %mul3A_1188 = vector.broadcast %slice3A_1187 : vector<1x2048xf32> to vector<24x2048xf32>
    %mul3A_1189 = arith.mulf %mul3A_1188, %sin3A_810 : vector<24x2048xf32>
    %add3A_1190 = arith.addf %mul3A_1186, %mul3A_1189 : vector<24x2048xf32>
    %slice3A_1191 = vector.extract_strided_slice %sin3A_808 {offsets = [22, 0], sizes = [1, 2048], strides = [1, 1]} : vector<24x2048xf32> to vector<1x2048xf32>
    %mul3A_1192 = vector.broadcast %slice3A_1191 : vector<1x2048xf32> to vector<24x2048xf32>
    %mul3A_1193 = arith.mulf %mul3A_1192, %cos3A_809 : vector<24x2048xf32>
    %slice3A_1194 = vector.extract_strided_slice %cos3A_807 {offsets = [22, 0], sizes = [1, 2048], strides = [1, 1]} : vector<24x2048xf32> to vector<1x2048xf32>
    %mul3A_1195 = vector.broadcast %slice3A_1194 : vector<1x2048xf32> to vector<24x2048xf32>
    %mul3A_1196 = arith.mulf %mul3A_1195, %sin3A_810 : vector<24x2048xf32>
    %add3A_1197 = arith.addf %mul3A_1193, %mul3A_1196 : vector<24x2048xf32>
    %slice3A_1198 = vector.extract_strided_slice %sin3A_808 {offsets = [23, 0], sizes = [1, 2048], strides = [1, 1]} : vector<24x2048xf32> to vector<1x2048xf32>
    %mul3A_1199 = vector.broadcast %slice3A_1198 : vector<1x2048xf32> to vector<24x2048xf32>
    %mul3A_1200 = arith.mulf %mul3A_1199, %cos3A_809 : vector<24x2048xf32>
    %slice3A_1201 = vector.extract_strided_slice %cos3A_807 {offsets = [23, 0], sizes = [1, 2048], strides = [1, 1]} : vector<24x2048xf32> to vector<1x2048xf32>
    %mul3A_1202 = vector.broadcast %slice3A_1201 : vector<1x2048xf32> to vector<24x2048xf32>
    %mul3A_1203 = arith.mulf %mul3A_1202, %sin3A_810 : vector<24x2048xf32>
    %add3A_1204 = arith.addf %mul3A_1200, %mul3A_1203 : vector<24x2048xf32>
    %concatenate3A_1205 = tpu.concatenate %add3A_1043, %add3A_1050, %add3A_1057, %add3A_1064, %add3A_1071, %add3A_1078, %add3A_1085, %add3A_1092, %add3A_1099, %add3A_1106, %add3A_1113, %add3A_1120, %add3A_1127, %add3A_1134, %add3A_1141, %add3A_1148, %add3A_1155, %add3A_1162, %add3A_1169, %add3A_1176, %add3A_1183, %add3A_1190, %add3A_1197, %add3A_1204 in 0 : vector<24x2048xf32>, vector<24x2048xf32>, vector<24x2048xf32>, vector<24x2048xf32>, vector<24x2048xf32>, vector<24x2048xf32>, vector<24x2048xf32>, vector<24x2048xf32>, vector<24x2048xf32>, vector<24x2048xf32>, vector<24x2048xf32>, vector<24x2048xf32>, vector<24x2048xf32>, vector<24x2048xf32>, vector<24x2048xf32>, vector<24x2048xf32>, vector<24x2048xf32>, vector<24x2048xf32>, vector<24x2048xf32>, vector<24x2048xf32>, vector<24x2048xf32>, vector<24x2048xf32>, vector<24x2048xf32>, vector<24x2048xf32> -> vector<576x2048xf32>
    %dot_general3A = arith.constant dense<0.000000e+00> : vector<192x576xf32>
    %dot_general3A_1206 = tpu.matmul %concatenate3A, %concatenate3A_1036, %dot_general3A {dimension_numbers = #tpu.dot_dimension_numbers<[1], [1], [0], [0], [0, 0, 1, 0], [], []>, transpose_lhs_hint = false} : vector<192x2048xf32>, vector<576x2048xf32>, vector<192x576xf32> -> vector<192x576xf32>
    %dot_general3A_1207 = arith.constant dense<0.000000e+00> : vector<192x576xf32>
    %dot_general3A_1208 = tpu.matmul %concatenate3A_867, %concatenate3A_1205, %dot_general3A_1207 {dimension_numbers = #tpu.dot_dimension_numbers<[1], [1], [0], [0], [0, 0, 1, 0], [], []>, transpose_lhs_hint = false} : vector<192x2048xf32>, vector<576x2048xf32>, vector<192x576xf32> -> vector<192x576xf32>
    %sub3A_1209 = arith.subf %dot_general3A_1206, %dot_general3A_1208 : vector<192x576xf32>
    %dot_general3A_1210 = arith.constant dense<0.000000e+00> : vector<192x576xf32>
    %dot_general3A_1211 = tpu.matmul %concatenate3A_867, %concatenate3A_1036, %dot_general3A_1210 {dimension_numbers = #tpu.dot_dimension_numbers<[1], [1], [0], [0], [0, 0, 1, 0], [], []>, transpose_lhs_hint = false} : vector<192x2048xf32>, vector<576x2048xf32>, vector<192x576xf32> -> vector<192x576xf32>
    %dot_general3A_1212 = arith.constant dense<0.000000e+00> : vector<192x576xf32>
    %dot_general3A_1213 = tpu.matmul %concatenate3A, %concatenate3A_1205, %dot_general3A_1212 {dimension_numbers = #tpu.dot_dimension_numbers<[1], [1], [0], [0], [0, 0, 1, 0], [], []>, transpose_lhs_hint = false} : vector<192x2048xf32>, vector<576x2048xf32>, vector<192x576xf32> -> vector<192x576xf32>
    %add3A_1214 = arith.addf %dot_general3A_1211, %dot_general3A_1213 : vector<192x576xf32>
    %eq3A_1215 = vector.broadcast %get3A_7 : vector<1x2048xi32> to vector<8x2048xi32>
    %eq3A_1216 = arith.cmpi eq, %eq3A_1215, %iota3A_811 : vector<8x2048xi32>
    %jit3A_1217 = arith.constant 1.000000e+00 : f32
    %jit3A_1218 = arith.constant 0.000000e+00 : f32
    %broadcast_in_dim3A_1219 = vector.broadcast %jit3A_1217 : f32 to vector<8x2048xf32>
    %broadcast_in_dim3A_1220 = vector.broadcast %jit3A_1218 : f32 to vector<8x2048xf32>
    %select_n3A_1221 = arith.select %eq3A_1216, %broadcast_in_dim3A_1219, %broadcast_in_dim3A_1220 : vector<8x2048xi1>, vector<8x2048xf32>
    %reduce_sum3A = arith.constant dense<0.000000e+00> : vector<8xf32>
    %reduce_sum3A_1222 = vector.multi_reduction <add>, %select_n3A_1221, %reduce_sum3A [1] : vector<8x2048xf32> to vector<8xf32>
    %broadcast_in_dim3A_1223 = vector.shape_cast %reduce_sum3A_1222 : vector<8xf32> to vector<8x1xf32>
    %reshape3A = vector.shape_cast %broadcast_in_dim3A_1223 : vector<8x1xf32> to vector<8x1x1xf32>
    %eq3A_1224 = arith.constant 0 : i32
    %eq3A_1225 = arith.cmpi eq, %arg0, %eq3A_1224 : i32
    %convert_element_type3A_1226 = arith.extui %eq3A_1225 : i1 to i32
    %cond3A = arith.constant 0 : i32
    %cond3A_1227 = arith.cmpi ne, %convert_element_type3A_1226, %cond3A : i32
    scf.if %cond3A_1227 {
      %swap3A = arith.constant 0 : index
      %swap3A_1232 = arith.constant 0 : index
      %swap3A_1233 = vector.load %arg5[%swap3A, %swap3A_1232] : memref<192x576xf32, #tpu.memory_space<vmem>>, vector<192x576xf32>
      tpu.vector_store %arg5[%swap3A, %swap3A_1232], %sub3A_1209 {strides = array<i32>} : memref<192x576xf32, #tpu.memory_space<vmem>>, vector<192x576xf32>,
      %swap3A_1234 = arith.constant 0 : index
      %swap3A_1235 = arith.constant 0 : index
      %swap3A_1236 = vector.load %arg6[%swap3A_1234, %swap3A_1235] : memref<192x576xf32, #tpu.memory_space<vmem>>, vector<192x576xf32>
      tpu.vector_store %arg6[%swap3A_1234, %swap3A_1235], %add3A_1214 {strides = array<i32>} : memref<192x576xf32, #tpu.memory_space<vmem>>, vector<192x576xf32>,
      %swap3A_1237 = arith.constant 0 : index
      %swap3A_1238 = arith.constant 0 : index
      %swap3A_1239 = arith.constant 0 : index
      %swap3A_1240 = vector.load %arg7[%swap3A_1237, %swap3A_1238, %swap3A_1239] : memref<8x1x1xf32, #tpu.memory_space<vmem>>, vector<8x1x1xf32>
      tpu.vector_store %arg7[%swap3A_1237, %swap3A_1238, %swap3A_1239], %reshape3A {strides = array<i32>} : memref<8x1x1xf32, #tpu.memory_space<vmem>>, vector<8x1x1xf32>,
    } else {
    }
    %gt3A = arith.constant 0 : i32
    %gt3A_1228 = arith.cmpi sgt, %arg0, %gt3A : i32
    %convert_element_type3A_1229 = arith.extui %gt3A_1228 : i1 to i32
    %cond3A_1230 = arith.constant 0 : i32
    %cond3A_1231 = arith.cmpi ne, %convert_element_type3A_1229, %cond3A_1230 : i32
    scf.if %cond3A_1231 {
      %get3A_1232 = arith.constant 0 : index
      %get3A_1233 = arith.constant 0 : index
      %get3A_1234 = vector.load %arg5[%get3A_1232, %get3A_1233] : memref<192x576xf32, #tpu.memory_space<vmem>>, vector<192x576xf32>
      %add3A_1235 = arith.addf %get3A_1234, %sub3A_1209 : vector<192x576xf32>
      %swap3A = arith.constant 0 : index
      %swap3A_1236 = arith.constant 0 : index
      %swap3A_1237 = vector.load %arg5[%swap3A, %swap3A_1236] : memref<192x576xf32, #tpu.memory_space<vmem>>, vector<192x576xf32>
      tpu.vector_store %arg5[%swap3A, %swap3A_1236], %add3A_1235 {strides = array<i32>} : memref<192x576xf32, #tpu.memory_space<vmem>>, vector<192x576xf32>,
      %get3A_1238 = arith.constant 0 : index
      %get3A_1239 = arith.constant 0 : index
      %get3A_1240 = vector.load %arg6[%get3A_1238, %get3A_1239] : memref<192x576xf32, #tpu.memory_space<vmem>>, vector<192x576xf32>
      %add3A_1241 = arith.addf %get3A_1240, %add3A_1214 : vector<192x576xf32>
      %swap3A_1242 = arith.constant 0 : index
      %swap3A_1243 = arith.constant 0 : index
      %swap3A_1244 = vector.load %arg6[%swap3A_1242, %swap3A_1243] : memref<192x576xf32, #tpu.memory_space<vmem>>, vector<192x576xf32>
      tpu.vector_store %arg6[%swap3A_1242, %swap3A_1243], %add3A_1241 {strides = array<i32>} : memref<192x576xf32, #tpu.memory_space<vmem>>, vector<192x576xf32>,
      %get3A_1245 = arith.constant 0 : index
      %get3A_1246 = arith.constant 0 : index
      %get3A_1247 = arith.constant 0 : index
      %get3A_1248 = vector.load %arg7[%get3A_1245, %get3A_1246, %get3A_1247] : memref<8x1x1xf32, #tpu.memory_space<vmem>>, vector<8x1x1xf32>
      %add3A_1249 = arith.addf %get3A_1248, %reshape3A : vector<8x1x1xf32>
      %swap3A_1250 = arith.constant 0 : index
      %swap3A_1251 = arith.constant 0 : index
      %swap3A_1252 = arith.constant 0 : index
      %swap3A_1253 = vector.load %arg7[%swap3A_1250, %swap3A_1251, %swap3A_1252] : memref<8x1x1xf32, #tpu.memory_space<vmem>>, vector<8x1x1xf32>
      tpu.vector_store %arg7[%swap3A_1250, %swap3A_1251, %swap3A_1252], %add3A_1249 {strides = array<i32>} : memref<8x1x1xf32, #tpu.memory_space<vmem>>, vector<8x1x1xf32>,
    } else {
    }
    return
  }
  func.func @transform_0(%arg0: i32) -> (i32, i32) {
    %c0_i32 = arith.constant 0 : i32
    %c0_i32_0 = arith.constant 0 : i32
    return %c0_i32, %arg0 : i32, i32
  }
  func.func @transform_1(%arg0: i32) -> (i32, i32) {
    %c0_i32 = arith.constant 0 : i32
    %c0_i32_0 = arith.constant 0 : i32
    return %c0_i32, %arg0 : i32, i32
  }
  func.func @transform_2(%arg0: i32) -> (i32, i32) {
    %c0_i32 = arith.constant 0 : i32
    %c0_i32_0 = arith.constant 0 : i32
    return %c0_i32, %arg0 : i32, i32
  }
  func.func @transform_3(%arg0: i32) -> (i32, i32, i32) {
    %c0_i32 = arith.constant 0 : i32
    %c0_i32_0 = arith.constant 0 : i32
    %c0_i32_1 = arith.constant 0 : i32
    %c0_i32_2 = arith.constant 0 : i32
    return %c0_i32, %c0_i32_0, %c0_i32_1 : i32, i32, i32
  }
  func.func @transform_4(%arg0: i32) -> (i32, i32) {
    %c0_i32 = arith.constant 0 : i32
    %c0_i32_0 = arith.constant 0 : i32
    %c0_i32_1 = arith.constant 0 : i32
    return %c0_i32, %c0_i32_0 : i32, i32
  }
  func.func @transform_5(%arg0: i32) -> (i32, i32) {
    %c0_i32 = arith.constant 0 : i32
    %c0_i32_0 = arith.constant 0 : i32
    %c0_i32_1 = arith.constant 0 : i32
    return %c0_i32, %c0_i32_0 : i32, i32
  }
  func.func @transform_6(%arg0: i32) -> (i32, i32, i32) {
    %c0_i32 = arith.constant 0 : i32
    %c0_i32_0 = arith.constant 0 : i32
    %c0_i32_1 = arith.constant 0 : i32
    %c0_i32_2 = arith.constant 0 : i32
    return %c0_i32, %c0_i32_0, %c0_i32_1 : i32, i32, i32
  }
}

module attributes {stable_mosaic.version = 14 : i64} {
  func.func @_phi_kernel(%arg0: i32, %arg1: i32, %arg2: memref<1x2x3456xf32, #tpu.memory_space<vmem>>, %arg3: memref<1x1x128xf32, #tpu.memory_space<vmem>>, %arg4: memref<1x1x128xf32, #tpu.memory_space<vmem>>, %arg5: memref<1x1x3456xf32, #tpu.memory_space<vmem>>, %arg6: memref<1x1x3456xf32, #tpu.memory_space<vmem>>, %arg7: memref<128x1xf32, #tpu.memory_space<vmem>>, %arg8: memref<256x128xf32, #tpu.memory_space<vmem>>, %arg9: memref<128x128xf32, #tpu.memory_space<vmem>>, %arg10: memref<1x1x1xf32, #tpu.memory_space<vmem>>, %arg11: memref<1x1x1xf32, #tpu.memory_space<vmem>>, %arg12: memref<1x1x1xf32, #tpu.memory_space<vmem>>, %arg13: memref<1x1x128xf32, #tpu.memory_space<vmem>>, %arg14: memref<1xf32, #tpu.memory_space<smem>>) attributes {dimension_semantics = [#tpu.dimension_semantics<arbitrary>, #tpu.dimension_semantics<arbitrary>], iteration_bounds = array<i64: 8, 4>, scalar_prefetch = 0 : i64, scratch_operands = 1 : i64, tpu.core_type = #tpu.core_type<tc>, window_params = [{transform_indices = @transform_0, window_bounds = array<i64: 1, 2, 3456>}, {transform_indices = @transform_1, window_bounds = array<i64: 1, 1, 128>}, {transform_indices = @transform_2, window_bounds = array<i64: 1, 1, 128>}, {transform_indices = @transform_3, window_bounds = array<i64: 1, 1, 3456>}, {transform_indices = @transform_4, window_bounds = array<i64: 1, 1, 3456>}, {pipeline_mode = #tpu.pipeline_mode<synchronous>, transform_indices = @transform_5, window_bounds = array<i64: 128, 1>}, {pipeline_mode = #tpu.pipeline_mode<synchronous>, transform_indices = @transform_6, window_bounds = array<i64: 256, 128>}, {pipeline_mode = #tpu.pipeline_mode<synchronous>, transform_indices = @transform_7, window_bounds = array<i64: 128, 128>}, {transform_indices = @transform_8, window_bounds = array<i64: 1, 1, 1>}, {transform_indices = @transform_9, window_bounds = array<i64: 1, 1, 1>}, {transform_indices = @transform_10, window_bounds = array<i64: 1, 1, 1>}, {transform_indices = @transform_11, window_bounds = array<i64: 1, 1, 128>}]} {
    %get3A = arith.constant 0 : index
    %get3A_0 = arith.constant 0 : index
    %get3A_1 = arith.constant 0 : index
    %get3A_2 = vector.load %arg2[%get3A, %get3A_0, %get3A_1] : memref<1x2x3456xf32, #tpu.memory_space<vmem>>, vector<1x1x3456xf32>
    %get3A_3 = vector.shape_cast %get3A_2 : vector<1x1x3456xf32> to vector<1x3456xf32>
    %get3A_4 = arith.constant 0 : index
    %get3A_5 = arith.constant 1 : index
    %get3A_6 = arith.constant 0 : index
    %get3A_7 = vector.load %arg2[%get3A_4, %get3A_5, %get3A_6] : memref<1x2x3456xf32, #tpu.memory_space<vmem>>, vector<1x1x3456xf32>
    %get3A_8 = vector.shape_cast %get3A_7 : vector<1x1x3456xf32> to vector<1x3456xf32>
    %gt3A = arith.constant 5.000000e-01 : f32
    %gt3A_9 = vector.broadcast %gt3A : f32 to vector<1x3456xf32>
    %gt3A_10 = arith.cmpf ogt, %get3A_8, %gt3A_9 : vector<1x3456xf32>
    %get3A_11 = arith.constant 0 : index
    %get3A_12 = arith.constant 0 : index
    %get3A_13 = vector.load %arg7[%get3A_11, %get3A_12] : memref<128x1xf32, #tpu.memory_space<vmem>>, vector<128x1xf32>
    %mul3A = vector.broadcast %get3A_13 : vector<128x1xf32> to vector<128x3456xf32>
    %mul3A_14 = vector.broadcast %get3A_3 : vector<1x3456xf32> to vector<128x3456xf32>
    %mul3A_15 = arith.mulf %mul3A, %mul3A_14 : vector<128x3456xf32>
    %get3A_16 = arith.constant 0 : index
    %get3A_17 = arith.constant 0 : index
    %get3A_18 = vector.load %arg9[%get3A_16, %get3A_17] : memref<128x128xf32, #tpu.memory_space<vmem>>, vector<128x1xf32>
    %add3A = vector.broadcast %get3A_18 : vector<128x1xf32> to vector<128x3456xf32>
    %add3A_19 = arith.addf %mul3A_15, %add3A : vector<128x3456xf32>
    %get3A_20 = arith.constant 0 : index
    %get3A_21 = arith.constant 1 : index
    %get3A_22 = vector.load %arg9[%get3A_20, %get3A_21] : memref<128x128xf32, #tpu.memory_space<vmem>>, vector<128x1xf32>
    %get3A_23 = arith.constant 0 : index
    %get3A_24 = arith.constant 2 : index
    %get3A_25 = vector.load %arg9[%get3A_23, %get3A_24] : memref<128x128xf32, #tpu.memory_space<vmem>>, vector<128x1xf32>
    %reduce_sum3A = arith.constant dense<0.000000e+00> : vector<3456xf32>
    %reduce_sum3A_26 = vector.multi_reduction <add>, %add3A_19, %reduce_sum3A [0] : vector<128x3456xf32> to vector<3456xf32>
    %broadcast_in_dim3A = vector.shape_cast %reduce_sum3A_26 : vector<3456xf32> to vector<1x3456xf32>
    %div3A = arith.constant 1.280000e+02 : f32
    %div3A_27 = vector.broadcast %div3A : f32 to vector<1x3456xf32>
    %div3A_28 = arith.divf %broadcast_in_dim3A, %div3A_27 : vector<1x3456xf32>
    %sub3A = vector.broadcast %div3A_28 : vector<1x3456xf32> to vector<128x3456xf32>
    %sub3A_29 = arith.subf %add3A_19, %sub3A : vector<128x3456xf32>
    %integer_pow3A = arith.mulf %sub3A_29, %sub3A_29 : vector<128x3456xf32>
    %reduce_sum3A_30 = arith.constant dense<0.000000e+00> : vector<3456xf32>
    %reduce_sum3A_31 = vector.multi_reduction <add>, %integer_pow3A, %reduce_sum3A_30 [0] : vector<128x3456xf32> to vector<3456xf32>
    %broadcast_in_dim3A_32 = vector.shape_cast %reduce_sum3A_31 : vector<3456xf32> to vector<1x3456xf32>
    %div3A_33 = arith.constant 1.280000e+02 : f32
    %div3A_34 = vector.broadcast %div3A_33 : f32 to vector<1x3456xf32>
    %div3A_35 = arith.divf %broadcast_in_dim3A_32, %div3A_34 : vector<1x3456xf32>
    %sub3A_36 = vector.broadcast %div3A_28 : vector<1x3456xf32> to vector<128x3456xf32>
    %sub3A_37 = arith.subf %add3A_19, %sub3A_36 : vector<128x3456xf32>
    %add3A_38 = arith.constant 9.99999974E-6 : f32
    %add3A_39 = vector.broadcast %add3A_38 : f32 to vector<1x3456xf32>
    %add3A_40 = arith.addf %div3A_35, %add3A_39 : vector<1x3456xf32>
    %sqrt3A = math.sqrt %add3A_40 : vector<1x3456xf32>
    %div3A_41 = vector.broadcast %sqrt3A : vector<1x3456xf32> to vector<128x3456xf32>
    %div3A_42 = arith.divf %sub3A_37, %div3A_41 : vector<128x3456xf32>
    %mul3A_43 = vector.broadcast %get3A_22 : vector<128x1xf32> to vector<128x3456xf32>
    %mul3A_44 = arith.mulf %div3A_42, %mul3A_43 : vector<128x3456xf32>
    %add3A_45 = vector.broadcast %get3A_25 : vector<128x1xf32> to vector<128x3456xf32>
    %add3A_46 = arith.addf %mul3A_44, %add3A_45 : vector<128x3456xf32>
    %neg3A = arith.constant 0.000000e+00 : f32
    %neg3A_47 = vector.broadcast %neg3A : f32 to vector<128x3456xf32>
    %neg3A_48 = arith.subf %neg3A_47, %add3A_46 : vector<128x3456xf32>
    %exp3A = math.exp %neg3A_48 : vector<128x3456xf32>
    %add3A_49 = arith.constant 1.000000e+00 : f32
    %add3A_50 = vector.broadcast %add3A_49 : f32 to vector<128x3456xf32>
    %add3A_51 = arith.addf %add3A_50, %exp3A : vector<128x3456xf32>
    %div3A_52 = arith.divf %add3A_46, %add3A_51 : vector<128x3456xf32>
    %get3A_53 = arith.constant 0 : index
    %get3A_54 = arith.constant 0 : index
    %get3A_55 = vector.load %arg8[%get3A_53, %get3A_54] : memref<256x128xf32, #tpu.memory_space<vmem>>, vector<128x128xf32>
    %dot_general3A = arith.constant dense<0.000000e+00> : vector<128x3456xf32>
    %dot_general3A_56 = tpu.matmul %get3A_55, %div3A_52, %dot_general3A {dimension_numbers = #tpu.dot_dimension_numbers<[1], [0], [0], [1], [0, 0, 1, 1], [], []>, precision = #tpu.contract_precision<fp32>, transpose_lhs_hint = false} : vector<128x128xf32>, vector<128x3456xf32>, vector<128x3456xf32> -> vector<128x3456xf32>
    %get3A_57 = arith.constant 0 : index
    %get3A_58 = arith.constant 3 : index
    %get3A_59 = vector.load %arg9[%get3A_57, %get3A_58] : memref<128x128xf32, #tpu.memory_space<vmem>>, vector<128x1xf32>
    %add3A_60 = vector.broadcast %get3A_59 : vector<128x1xf32> to vector<128x3456xf32>
    %add3A_61 = arith.addf %dot_general3A_56, %add3A_60 : vector<128x3456xf32>
    %get3A_62 = arith.constant 0 : index
    %get3A_63 = arith.constant 4 : index
    %get3A_64 = vector.load %arg9[%get3A_62, %get3A_63] : memref<128x128xf32, #tpu.memory_space<vmem>>, vector<128x1xf32>
    %get3A_65 = arith.constant 0 : index
    %get3A_66 = arith.constant 5 : index
    %get3A_67 = vector.load %arg9[%get3A_65, %get3A_66] : memref<128x128xf32, #tpu.memory_space<vmem>>, vector<128x1xf32>
    %reduce_sum3A_68 = arith.constant dense<0.000000e+00> : vector<3456xf32>
    %reduce_sum3A_69 = vector.multi_reduction <add>, %add3A_61, %reduce_sum3A_68 [0] : vector<128x3456xf32> to vector<3456xf32>
    %broadcast_in_dim3A_70 = vector.shape_cast %reduce_sum3A_69 : vector<3456xf32> to vector<1x3456xf32>
    %div3A_71 = arith.constant 1.280000e+02 : f32
    %div3A_72 = vector.broadcast %div3A_71 : f32 to vector<1x3456xf32>
    %div3A_73 = arith.divf %broadcast_in_dim3A_70, %div3A_72 : vector<1x3456xf32>
    %sub3A_74 = vector.broadcast %div3A_73 : vector<1x3456xf32> to vector<128x3456xf32>
    %sub3A_75 = arith.subf %add3A_61, %sub3A_74 : vector<128x3456xf32>
    %integer_pow3A_76 = arith.mulf %sub3A_75, %sub3A_75 : vector<128x3456xf32>
    %reduce_sum3A_77 = arith.constant dense<0.000000e+00> : vector<3456xf32>
    %reduce_sum3A_78 = vector.multi_reduction <add>, %integer_pow3A_76, %reduce_sum3A_77 [0] : vector<128x3456xf32> to vector<3456xf32>
    %broadcast_in_dim3A_79 = vector.shape_cast %reduce_sum3A_78 : vector<3456xf32> to vector<1x3456xf32>
    %div3A_80 = arith.constant 1.280000e+02 : f32
    %div3A_81 = vector.broadcast %div3A_80 : f32 to vector<1x3456xf32>
    %div3A_82 = arith.divf %broadcast_in_dim3A_79, %div3A_81 : vector<1x3456xf32>
    %sub3A_83 = vector.broadcast %div3A_73 : vector<1x3456xf32> to vector<128x3456xf32>
    %sub3A_84 = arith.subf %add3A_61, %sub3A_83 : vector<128x3456xf32>
    %add3A_85 = arith.constant 9.99999974E-6 : f32
    %add3A_86 = vector.broadcast %add3A_85 : f32 to vector<1x3456xf32>
    %add3A_87 = arith.addf %div3A_82, %add3A_86 : vector<1x3456xf32>
    %sqrt3A_88 = math.sqrt %add3A_87 : vector<1x3456xf32>
    %div3A_89 = vector.broadcast %sqrt3A_88 : vector<1x3456xf32> to vector<128x3456xf32>
    %div3A_90 = arith.divf %sub3A_84, %div3A_89 : vector<128x3456xf32>
    %mul3A_91 = vector.broadcast %get3A_64 : vector<128x1xf32> to vector<128x3456xf32>
    %mul3A_92 = arith.mulf %div3A_90, %mul3A_91 : vector<128x3456xf32>
    %add3A_93 = vector.broadcast %get3A_67 : vector<128x1xf32> to vector<128x3456xf32>
    %add3A_94 = arith.addf %mul3A_92, %add3A_93 : vector<128x3456xf32>
    %neg3A_95 = arith.constant 0.000000e+00 : f32
    %neg3A_96 = vector.broadcast %neg3A_95 : f32 to vector<128x3456xf32>
    %neg3A_97 = arith.subf %neg3A_96, %add3A_94 : vector<128x3456xf32>
    %exp3A_98 = math.exp %neg3A_97 : vector<128x3456xf32>
    %add3A_99 = arith.constant 1.000000e+00 : f32
    %add3A_100 = vector.broadcast %add3A_99 : f32 to vector<128x3456xf32>
    %add3A_101 = arith.addf %add3A_100, %exp3A_98 : vector<128x3456xf32>
    %div3A_102 = arith.divf %add3A_94, %add3A_101 : vector<128x3456xf32>
    %get3A_103 = arith.constant 128 : index
    %get3A_104 = arith.constant 0 : index
    %get3A_105 = vector.load %arg8[%get3A_103, %get3A_104] : memref<256x128xf32, #tpu.memory_space<vmem>>, vector<128x128xf32>
    %dot_general3A_106 = arith.constant dense<0.000000e+00> : vector<128x3456xf32>
    %dot_general3A_107 = tpu.matmul %get3A_105, %div3A_102, %dot_general3A_106 {dimension_numbers = #tpu.dot_dimension_numbers<[1], [0], [0], [1], [0, 0, 1, 1], [], []>, precision = #tpu.contract_precision<fp32>, transpose_lhs_hint = false} : vector<128x128xf32>, vector<128x3456xf32>, vector<128x3456xf32> -> vector<128x3456xf32>
    %get3A_108 = arith.constant 0 : index
    %get3A_109 = arith.constant 6 : index
    %get3A_110 = vector.load %arg9[%get3A_108, %get3A_109] : memref<128x128xf32, #tpu.memory_space<vmem>>, vector<128x1xf32>
    %add3A_111 = vector.broadcast %get3A_110 : vector<128x1xf32> to vector<128x3456xf32>
    %add3A_112 = arith.addf %dot_general3A_107, %add3A_111 : vector<128x3456xf32>
    %get3A_113 = arith.constant 0 : index
    %get3A_114 = arith.constant 7 : index
    %get3A_115 = vector.load %arg9[%get3A_113, %get3A_114] : memref<128x128xf32, #tpu.memory_space<vmem>>, vector<128x1xf32>
    %get3A_116 = arith.constant 0 : index
    %get3A_117 = arith.constant 8 : index
    %get3A_118 = vector.load %arg9[%get3A_116, %get3A_117] : memref<128x128xf32, #tpu.memory_space<vmem>>, vector<128x1xf32>
    %reduce_sum3A_119 = arith.constant dense<0.000000e+00> : vector<3456xf32>
    %reduce_sum3A_120 = vector.multi_reduction <add>, %add3A_112, %reduce_sum3A_119 [0] : vector<128x3456xf32> to vector<3456xf32>
    %broadcast_in_dim3A_121 = vector.shape_cast %reduce_sum3A_120 : vector<3456xf32> to vector<1x3456xf32>
    %div3A_122 = arith.constant 1.280000e+02 : f32
    %div3A_123 = vector.broadcast %div3A_122 : f32 to vector<1x3456xf32>
    %div3A_124 = arith.divf %broadcast_in_dim3A_121, %div3A_123 : vector<1x3456xf32>
    %sub3A_125 = vector.broadcast %div3A_124 : vector<1x3456xf32> to vector<128x3456xf32>
    %sub3A_126 = arith.subf %add3A_112, %sub3A_125 : vector<128x3456xf32>
    %integer_pow3A_127 = arith.mulf %sub3A_126, %sub3A_126 : vector<128x3456xf32>
    %reduce_sum3A_128 = arith.constant dense<0.000000e+00> : vector<3456xf32>
    %reduce_sum3A_129 = vector.multi_reduction <add>, %integer_pow3A_127, %reduce_sum3A_128 [0] : vector<128x3456xf32> to vector<3456xf32>
    %broadcast_in_dim3A_130 = vector.shape_cast %reduce_sum3A_129 : vector<3456xf32> to vector<1x3456xf32>
    %div3A_131 = arith.constant 1.280000e+02 : f32
    %div3A_132 = vector.broadcast %div3A_131 : f32 to vector<1x3456xf32>
    %div3A_133 = arith.divf %broadcast_in_dim3A_130, %div3A_132 : vector<1x3456xf32>
    %sub3A_134 = vector.broadcast %div3A_124 : vector<1x3456xf32> to vector<128x3456xf32>
    %sub3A_135 = arith.subf %add3A_112, %sub3A_134 : vector<128x3456xf32>
    %add3A_136 = arith.constant 9.99999974E-6 : f32
    %add3A_137 = vector.broadcast %add3A_136 : f32 to vector<1x3456xf32>
    %add3A_138 = arith.addf %div3A_133, %add3A_137 : vector<1x3456xf32>
    %sqrt3A_139 = math.sqrt %add3A_138 : vector<1x3456xf32>
    %div3A_140 = vector.broadcast %sqrt3A_139 : vector<1x3456xf32> to vector<128x3456xf32>
    %div3A_141 = arith.divf %sub3A_135, %div3A_140 : vector<128x3456xf32>
    %mul3A_142 = vector.broadcast %get3A_115 : vector<128x1xf32> to vector<128x3456xf32>
    %mul3A_143 = arith.mulf %div3A_141, %mul3A_142 : vector<128x3456xf32>
    %add3A_144 = vector.broadcast %get3A_118 : vector<128x1xf32> to vector<128x3456xf32>
    %add3A_145 = arith.addf %mul3A_143, %add3A_144 : vector<128x3456xf32>
    %neg3A_146 = arith.constant 0.000000e+00 : f32
    %neg3A_147 = vector.broadcast %neg3A_146 : f32 to vector<128x3456xf32>
    %neg3A_148 = arith.subf %neg3A_147, %add3A_145 : vector<128x3456xf32>
    %exp3A_149 = math.exp %neg3A_148 : vector<128x3456xf32>
    %add3A_150 = arith.constant 1.000000e+00 : f32
    %add3A_151 = vector.broadcast %add3A_150 : f32 to vector<128x3456xf32>
    %add3A_152 = arith.addf %add3A_151, %exp3A_149 : vector<128x3456xf32>
    %div3A_153 = arith.divf %add3A_145, %add3A_152 : vector<128x3456xf32>
    %get3A_154 = arith.constant 0 : index
    %get3A_155 = arith.constant 9 : index
    %get3A_156 = vector.load %arg9[%get3A_154, %get3A_155] : memref<128x128xf32, #tpu.memory_space<vmem>>, vector<128x1xf32>
    %mul3A_157 = vector.broadcast %get3A_156 : vector<128x1xf32> to vector<128x3456xf32>
    %mul3A_158 = arith.mulf %div3A_153, %mul3A_157 : vector<128x3456xf32>
    %reduce_sum3A_159 = arith.constant dense<0.000000e+00> : vector<3456xf32>
    %reduce_sum3A_160 = vector.multi_reduction <add>, %mul3A_158, %reduce_sum3A_159 [0] : vector<128x3456xf32> to vector<3456xf32>
    %broadcast_in_dim3A_161 = vector.shape_cast %reduce_sum3A_160 : vector<3456xf32> to vector<1x3456xf32>
    %get3A_162 = arith.constant 0 : index
    %get3A_163 = arith.constant 10 : index
    %get3A_164 = vector.load %arg9[%get3A_162, %get3A_163] : memref<128x128xf32, #tpu.memory_space<vmem>>, vector<1x1xf32>
    %get3A_165 = vector.extract %get3A_164[0, 0] : f32 from vector<1x1xf32>
    %add3A_166 = vector.broadcast %get3A_165 : f32 to vector<1x3456xf32>
    %add3A_167 = arith.addf %broadcast_in_dim3A_161, %add3A_166 : vector<1x3456xf32>
    %get3A_168 = arith.constant 0 : index
    %get3A_169 = arith.constant 0 : index
    %get3A_170 = arith.constant 0 : index
    %get3A_171 = vector.load %arg5[%get3A_168, %get3A_169, %get3A_170] : memref<1x1x3456xf32, #tpu.memory_space<vmem>>, vector<1x1x3456xf32>
    %get3A_172 = vector.shape_cast %get3A_171 : vector<1x1x3456xf32> to vector<1x3456xf32>
    %integer_pow3A_173 = arith.mulf %get3A_172, %get3A_172 : vector<1x3456xf32>
    %get3A_174 = arith.constant 0 : index
    %get3A_175 = arith.constant 0 : index
    %get3A_176 = arith.constant 0 : index
    %get3A_177 = vector.load %arg6[%get3A_174, %get3A_175, %get3A_176] : memref<1x1x3456xf32, #tpu.memory_space<vmem>>, vector<1x1x3456xf32>
    %get3A_178 = vector.shape_cast %get3A_177 : vector<1x1x3456xf32> to vector<1x3456xf32>
    %integer_pow3A_179 = arith.mulf %get3A_178, %get3A_178 : vector<1x3456xf32>
    %add3A_180 = arith.addf %integer_pow3A_173, %integer_pow3A_179 : vector<1x3456xf32>
    %mul3A_181 = arith.mulf %add3A_167, %add3A_180 : vector<1x3456xf32>
    %jit3A = arith.constant 0.000000e+00 : f32
    %broadcast_in_dim3A_182 = vector.broadcast %jit3A : f32 to vector<1x3456xf32>
    %select_n3A = arith.select %gt3A_10, %mul3A_181, %broadcast_in_dim3A_182 : vector<1x3456xi1>, vector<1x3456xf32>
    %reduce_sum3A_183 = vector.shape_cast %select_n3A : vector<1x3456xf32> to vector<1x1x3456xf32>
    %reduce_sum3A_184 = arith.constant dense<0.000000e+00> : vector<1xf32>
    %reduce_sum3A_185 = vector.multi_reduction <add>, %reduce_sum3A_183, %reduce_sum3A_184 [1, 2] : vector<1x1x3456xf32> to vector<1xf32>
    %reduce_sum3A_186 = vector.shape_cast %reduce_sum3A_185 : vector<1xf32> to vector<1x1x1xf32>
    %reduce_sum3A_187 = vector.extract %reduce_sum3A_186[0, 0, 0] : f32 from vector<1x1x1xf32>
    %eq3A = arith.constant 0 : i32
    %eq3A_188 = arith.cmpi eq, %arg1, %eq3A : i32
    %convert_element_type3A = arith.extui %eq3A_188 : i1 to i32
    %cond3A = arith.constant 0 : i32
    %cond3A_189 = arith.cmpi ne, %convert_element_type3A, %cond3A : i32
    scf.if %cond3A_189 {
      %swap3A = arith.constant 0 : index
      %swap3A_200 = memref.load %arg14[%swap3A] : memref<1xf32, #tpu.memory_space<smem>>
      memref.store %reduce_sum3A_187, %arg14[%swap3A] : memref<1xf32, #tpu.memory_space<smem>>
    } else {
    }
    %gt3A_190 = arith.constant 0 : i32
    %gt3A_191 = arith.cmpi sgt, %arg1, %gt3A_190 : i32
    %convert_element_type3A_192 = arith.extui %gt3A_191 : i1 to i32
    %cond3A_193 = arith.constant 0 : i32
    %cond3A_194 = arith.cmpi ne, %convert_element_type3A_192, %cond3A_193 : i32
    scf.if %cond3A_194 {
      %get3A_200 = arith.constant 0 : index
      %get3A_201 = memref.load %arg14[%get3A_200] : memref<1xf32, #tpu.memory_space<smem>>
      %add3A_202 = arith.addf %get3A_201, %reduce_sum3A_187 : f32
      %swap3A = arith.constant 0 : index
      %swap3A_203 = memref.load %arg14[%swap3A] : memref<1xf32, #tpu.memory_space<smem>>
      memref.store %add3A_202, %arg14[%swap3A] : memref<1xf32, #tpu.memory_space<smem>>
    } else {
    }
    %eq3A_195 = arith.constant 3 : i32
    %eq3A_196 = arith.cmpi eq, %arg1, %eq3A_195 : i32
    %convert_element_type3A_197 = arith.extui %eq3A_196 : i1 to i32
    %cond3A_198 = arith.constant 0 : i32
    %cond3A_199 = arith.cmpi ne, %convert_element_type3A_197, %cond3A_198 : i32
    scf.if %cond3A_199 {
      %get3A_200 = arith.constant 0 : index
      %get3A_201 = arith.constant 0 : index
      %get3A_202 = arith.constant 0 : index
      %get3A_203 = vector.load %arg4[%get3A_200, %get3A_201, %get3A_202] : memref<1x1x128xf32, #tpu.memory_space<vmem>>, vector<1x1x1xf32>
      %get3A_204 = vector.extract %get3A_203[0, 0, 0] : f32 from vector<1x1x1xf32>
      %get3A_205 = arith.constant 0 : index
      %get3A_206 = arith.constant 0 : index
      %get3A_207 = arith.constant 1 : index
      %get3A_208 = vector.load %arg4[%get3A_205, %get3A_206, %get3A_207] : memref<1x1x128xf32, #tpu.memory_space<vmem>>, vector<1x1x1xf32>
      %get3A_209 = vector.extract %get3A_208[0, 0, 0] : f32 from vector<1x1x1xf32>
      %get3A_210 = arith.constant 0 : index
      %get3A_211 = arith.constant 0 : index
      %get3A_212 = arith.constant 2 : index
      %get3A_213 = vector.load %arg4[%get3A_210, %get3A_211, %get3A_212] : memref<1x1x128xf32, #tpu.memory_space<vmem>>, vector<1x1x1xf32>
      %get3A_214 = vector.extract %get3A_213[0, 0, 0] : f32 from vector<1x1x1xf32>
      %get3A_215 = arith.constant 0 : index
      %get3A_216 = memref.load %arg14[%get3A_215] : memref<1xf32, #tpu.memory_space<smem>>
      %mul3A_217 = arith.constant 14.3996458 : f32
      %mul3A_218 = arith.mulf %mul3A_217, %get3A_216 : f32
      %div3A_219 = arith.divf %mul3A_218, %get3A_204 : f32
      %div3A_220 = arith.constant -22.6189098 : f32
      %div3A_221 = arith.divf %div3A_220, %get3A_204 : f32
      %div3A_222 = arith.constant 4.000000e-01 : f32
      %div3A_223 = arith.divf %div3A_221, %div3A_222 : f32
      %mul3A_224 = arith.mulf %div3A_223, %get3A_209 : f32
      %mul3A_225 = arith.mulf %mul3A_224, %get3A_209 : f32
      %mul3A_226 = arith.mulf %mul3A_225, %get3A_214 : f32
      %reshape3A = vector.broadcast %div3A_219 : f32 to vector<1x1x1xf32>
      %swap3A = arith.constant 0 : index
      %swap3A_227 = arith.constant 0 : index
      %swap3A_228 = arith.constant 0 : index
      %swap3A_229 = vector.load %arg11[%swap3A, %swap3A_227, %swap3A_228] : memref<1x1x1xf32, #tpu.memory_space<vmem>>, vector<1x1x1xf32>
      tpu.vector_store %arg11[%swap3A, %swap3A_227, %swap3A_228], %reshape3A {strides = array<i32>} : memref<1x1x1xf32, #tpu.memory_space<vmem>>, vector<1x1x1xf32>,
      %reshape3A_230 = vector.broadcast %mul3A_226 : f32 to vector<1x1x1xf32>
      %swap3A_231 = arith.constant 0 : index
      %swap3A_232 = arith.constant 0 : index
      %swap3A_233 = arith.constant 0 : index
      %swap3A_234 = vector.load %arg12[%swap3A_231, %swap3A_232, %swap3A_233] : memref<1x1x1xf32, #tpu.memory_space<vmem>>, vector<1x1x1xf32>
      tpu.vector_store %arg12[%swap3A_231, %swap3A_232, %swap3A_233], %reshape3A_230 {strides = array<i32>} : memref<1x1x1xf32, #tpu.memory_space<vmem>>, vector<1x1x1xf32>,
      %get3A_235 = arith.constant 0 : index
      %get3A_236 = arith.constant 0 : index
      %get3A_237 = arith.constant 0 : index
      %get3A_238 = vector.load %arg10[%get3A_235, %get3A_236, %get3A_237] : memref<1x1x1xf32, #tpu.memory_space<vmem>>, vector<1x1x1xf32>
      %get3A_239 = vector.extract %get3A_238[0, 0, 0] : f32 from vector<1x1x1xf32>
      %div3A_240 = arith.constant 1.000000e+00 : f32
      %div3A_241 = arith.divf %div3A_240, %get3A_239 : f32
      %iota3A = tpu.iota {dimensions = array<i32: 2>} : vector<1x1x128xi32>
      %eq3A_242 = arith.constant 0 : i32
      %eq3A_243 = vector.broadcast %eq3A_242 : i32 to vector<1x1x128xi32>
      %eq3A_244 = arith.cmpi eq, %iota3A, %eq3A_243 : vector<1x1x128xi32>
      %mul3A_245 = arith.mulf %div3A_219, %div3A_241 : f32
      %eq3A_246 = arith.constant 1 : i32
      %eq3A_247 = vector.broadcast %eq3A_246 : i32 to vector<1x1x128xi32>
      %eq3A_248 = arith.cmpi eq, %iota3A, %eq3A_247 : vector<1x1x128xi32>
      %mul3A_249 = arith.mulf %mul3A_226, %div3A_241 : f32
      %jit3A_250 = arith.constant 0.000000e+00 : f32
      %broadcast_in_dim3A_251 = vector.broadcast %mul3A_249 : f32 to vector<1x1x128xf32>
      %broadcast_in_dim3A_252 = vector.broadcast %jit3A_250 : f32 to vector<1x1x128xf32>
      %select_n3A_253 = arith.select %eq3A_248, %broadcast_in_dim3A_251, %broadcast_in_dim3A_252 : vector<1x1x128xi1>, vector<1x1x128xf32>
      %broadcast_in_dim3A_254 = vector.broadcast %mul3A_245 : f32 to vector<1x1x128xf32>
      %select_n3A_255 = arith.select %eq3A_244, %broadcast_in_dim3A_254, %select_n3A_253 : vector<1x1x128xi1>, vector<1x1x128xf32>
      %swap3A_256 = arith.constant 0 : index
      %swap3A_257 = arith.constant 0 : index
      %swap3A_258 = arith.constant 0 : index
      %swap3A_259 = vector.load %arg13[%swap3A_256, %swap3A_257, %swap3A_258] : memref<1x1x128xf32, #tpu.memory_space<vmem>>, vector<1x1x128xf32>
      tpu.vector_store %arg13[%swap3A_256, %swap3A_257, %swap3A_258], %select_n3A_255 {strides = array<i32>} : memref<1x1x128xf32, #tpu.memory_space<vmem>>, vector<1x1x128xf32>,
    } else {
    }
    return
  }
  func.func @transform_0(%arg0: i32, %arg1: i32) -> (i32, i32, i32) {
    %c0_i32 = arith.constant 0 : i32
    %c0_i32_0 = arith.constant 0 : i32
    return %arg0, %c0_i32, %arg1 : i32, i32, i32
  }
  func.func @transform_1(%arg0: i32, %arg1: i32) -> (i32, i32, i32) {
    %c0_i32 = arith.constant 0 : i32
    %c0_i32_0 = arith.constant 0 : i32
    %c0_i32_1 = arith.constant 0 : i32
    return %arg0, %c0_i32, %c0_i32_0 : i32, i32, i32
  }
  func.func @transform_2(%arg0: i32, %arg1: i32) -> (i32, i32, i32) {
    %c0_i32 = arith.constant 0 : i32
    %c0_i32_0 = arith.constant 0 : i32
    %c0_i32_1 = arith.constant 0 : i32
    return %arg0, %c0_i32, %c0_i32_0 : i32, i32, i32
  }
  func.func @transform_3(%arg0: i32, %arg1: i32) -> (i32, i32, i32) {
    %c0_i32 = arith.constant 0 : i32
    %c0_i32_0 = arith.constant 0 : i32
    return %arg0, %c0_i32, %arg1 : i32, i32, i32
  }
  func.func @transform_4(%arg0: i32, %arg1: i32) -> (i32, i32, i32) {
    %c0_i32 = arith.constant 0 : i32
    %c0_i32_0 = arith.constant 0 : i32
    return %arg0, %c0_i32, %arg1 : i32, i32, i32
  }
  func.func @transform_5(%arg0: i32, %arg1: i32) -> (i32, i32) {
    %c0_i32 = arith.constant 0 : i32
    %c0_i32_0 = arith.constant 0 : i32
    %c0_i32_1 = arith.constant 0 : i32
    return %c0_i32, %c0_i32_0 : i32, i32
  }
  func.func @transform_6(%arg0: i32, %arg1: i32) -> (i32, i32) {
    %c0_i32 = arith.constant 0 : i32
    %c0_i32_0 = arith.constant 0 : i32
    %c0_i32_1 = arith.constant 0 : i32
    return %c0_i32, %c0_i32_0 : i32, i32
  }
  func.func @transform_7(%arg0: i32, %arg1: i32) -> (i32, i32) {
    %c0_i32 = arith.constant 0 : i32
    %c0_i32_0 = arith.constant 0 : i32
    %c0_i32_1 = arith.constant 0 : i32
    return %c0_i32, %c0_i32_0 : i32, i32
  }
  func.func @transform_8(%arg0: i32, %arg1: i32) -> (i32, i32, i32) {
    %c0_i32 = arith.constant 0 : i32
    %c0_i32_0 = arith.constant 0 : i32
    %c0_i32_1 = arith.constant 0 : i32
    return %arg0, %c0_i32, %c0_i32_0 : i32, i32, i32
  }
  func.func @transform_9(%arg0: i32, %arg1: i32) -> (i32, i32, i32) {
    %c0_i32 = arith.constant 0 : i32
    %c0_i32_0 = arith.constant 0 : i32
    %c0_i32_1 = arith.constant 0 : i32
    return %arg0, %c0_i32, %c0_i32_0 : i32, i32, i32
  }
  func.func @transform_10(%arg0: i32, %arg1: i32) -> (i32, i32, i32) {
    %c0_i32 = arith.constant 0 : i32
    %c0_i32_0 = arith.constant 0 : i32
    %c0_i32_1 = arith.constant 0 : i32
    return %arg0, %c0_i32, %c0_i32_0 : i32, i32, i32
  }
  func.func @transform_11(%arg0: i32, %arg1: i32) -> (i32, i32, i32) {
    %c0_i32 = arith.constant 0 : i32
    %c0_i32_0 = arith.constant 0 : i32
    %c0_i32_1 = arith.constant 0 : i32
    return %arg0, %c0_i32, %c0_i32_0 : i32, i32, i32
  }
}

</mosaic_0001>

<sc_bundles>
// kernel: kernel.5.cloned.1.call-start
scs
__scs_entry_jumppad:
0x0: {  	(pc) =	sbr.rel $0x88, $3  }
0x1: {  	(tag) =	ssettag $0x0;
	lr =	simm.s32 $0x1  }
0x2: {  	[smem:$0x3F91] =	sst lr;
	_ =	strace $0xD0000000  }
0x3: {  	_ = 	snop  }
0x4: {  	_ = 	snop  }
0x5: {  	_ = 	snop  }
0x6: {  	_ = 	snop  }
0x7: {  	_ = 	snop  }
__scs_overlays_trampoline_lowered:
0x8: {  	[smem:$0x3FA0] =	sst s0  }
0x9: {  	[smem:$0x3FA1] =	sst s1  }
0xa: {  	[smem:$0x3FA2] =	sst s2  }
0xb: {  	[smem:$0x3FA3] =	sst s3  }
0xc: {  	[smem:$0x3FA4] =	sst s4  }
0xd: {  	[smem:$0x3FA5] =	sst s5  }
0xe: {  	[smem:$0x3FA6] =	sst s6  }
0xf: {  	[smem:$0x3FA7] =	sst s7  }
0x10: {  	[smem:$0x3FA8] =	sst s8  }
0x11: {  	[smem:$0x3FA9] =	sst s9;
	s0 =	simm.s32 @!p0 $0x0  }
0x12: {  	s1 =	sld [smem:$0x3F8F];
	s0 =	simm.s32 @p0 $0x1  }
0x13: {  	[smem:$0x3FAA] =	sst s0;
	s0 =	simm.s32 @!p1 $0x0  }
0x14: {  	s2 =	sld [smem:$0x3F8E];
	s0 =	simm.s32 @p1 $0x1  }
0x15: {  	[smem:$0x3FAB] =	sst s0;
	s0 =	simm.s32 @!p2 $0x0  }
0x16: {  	s3 =	sld [smem:$0x3FDB];
	s0 =	simm.s32 @p2 $0x1  }
0x17: {  	s4 =	simm.s32 $0x1BF5;
	[smem:$0x3FAD] =	sst s0  }
0x18: {  	s0 =	sld [smem:$0x3F90];
	_ =	swait.ge [sflag:s4], $0x0  }
0x19: {  	s7 =	sld [smem:$0x3F91]  }
0x1a: {  	s8 =	sadd.s32 $0xFFFFE003, lr  }
0x1b: {  	s9 =	sadd.s32 $0xFFFFFEF7, lr;
	s5 =	simm.s32 $0xFFFFFFFF;
	p2 =	slt.u32 s8, $0xFFFFF086  }
0x1c: {  	p1 =	slt.u32 s9, $0xF7A;
	s5 =	simm.s32 @!p2 $0x0  }
0x1d: {  	s5 =	simm.s32 @p1 $0x1;
	p0 =	seq.s32 s7, s2  }
0x1e: {  	s7 =	smul.u32 @!p0 $0xF7A, s2;
	p2 =	seq.s32 @!p0 s5, $0x0  }
0x1f: {  	s9 =	smul.u32 $0xF7A, s1;
	s8 =	simm.s32 @!p0 $0x1BF5;
	p2 =	por !p2, p0  }
0x20: {  	[sflag:s8] =	ssyncset.s32 @!p0 $0xFFFFF086;
	s6 =	sadd.s32 @!p0 s3, s7;
	s7 =	simm.s32 @!p0 $0x108  }
0x21: {  	s3 =	sadd.s32 s3, s9;
	s6 =	sadd.s32 @!p0 $0x88, s6;
	s7 =	simm.s32 @p2 $0x1082  }
0x22: {  	[simem:s7], [sflag:s8] =	dma.local @!p0 [hbm:s6], $0xF7A  }
0x23: {  	s9 =	sor.u32 $0xD0000000, s2;
	s6 =	simm.s32 $0x108;
	_ =	swait.ge @!p0 [sflag:s8], $0x0  }
0x24: {  	s3 =	sadd.s32 $0x88, s3;
	s6 =	simm.s32 @!p1 $0x1082;
	[sflag:s4] =	ssyncset.s32 $0xFFFFF086  }
0x25: {  	[simem:s6], [sflag:s4] =	dma.local [hbm:s3], $0xF7A  }
0x26: {  	[smem:$0x3F91] =	sst s1;
	(tag) =	ssettag s2;
	_ =	strace s9  }
0x27: {  	s1 =	sld [smem:$0x3FA1]  }
0x28: {  	s2 =	sld [smem:$0x3FA2]  }
0x29: {  	s4 =	sld [smem:$0x3FA4]  }
0x2a: {  	p0 =	seq.s32 s5, $0x0;
	s5 =	sld [smem:$0x3FA5]  }
0x2b: {  	s6 =	sld [smem:$0x3FA6]  }
0x2c: {  	s7 =	sld [smem:$0x3FA7]  }
0x2d: {  	s3 =	simm.s32 $0x108;
	s8 =	sld [smem:$0x3FA8]  }
0x2e: {  	s3 =	simm.s32 @!p0 $0x1082;
	s9 =	sld [smem:$0x3FA9]  }
0x2f: {  	lr =	sadd.s32 s0, s3;
	s0 =	sld [smem:$0x3FA0]  }
0x30: {  	s3 =	sld [smem:$0x3FA3]  }
0x31: {  	[smem:$0x3FAC] =	sst s10  }
0x32: {  	s10 =	sld [smem:$0x3FAA];
	_ =	sdelay $0x3  }
0x33: {  	p0 =	seq.s32 s10, $0x1;
	s10 =	sld [smem:$0x3FAC];
	_ =	sdelay $0x3  }
0x34: {  	[smem:$0x3FAC] =	sst s10  }
0x35: {  	s10 =	sld [smem:$0x3FAB];
	_ =	sdelay $0x3  }
0x36: {  	p1 =	seq.s32 s10, $0x1;
	s10 =	sld [smem:$0x3FAC];
	_ =	sdelay $0x3  }
0x37: {  	[smem:$0x3FAC] =	sst s10  }
0x38: {  	s10 =	sld [smem:$0x3FAD]  }
0x39: {  	_ = 	snop;
	(pc) =	sbr.ind lr, $3  }
0x3a: {  	_ = 	snop  }
0x3b: {  	_ = 	snop  }
0x3c: {  	p2 =	seq.s32 s10, $0x1;
	s10 =	sld [smem:$0x3FAC]  }
0x3d: {  	_ =	shalt  }
0x3e: {  	_ =	shalt  }
0x3f: {  	_ =	shalt  }
0x40: {  	_ =	shalt  }
0x41: {  	_ =	shalt  }
0x42: {  	_ =	shalt  }
0x43: {  	_ =	shalt  }
0x44: {  	_ =	shalt  }
0x45: {  	_ =	shalt  }
0x46: {  	_ =	shalt  }
0x47: {  	_ =	shalt  }
0x48: {  	_ =	shalt  }
0x49: {  	_ =	shalt  }
0x4a: {  	_ =	shalt  }
0x4b: {  	_ =	shalt  }
0x4c: {  	_ =	shalt  }
0x4d: {  	_ =	shalt  }
0x4e: {  	_ =	shalt  }
0x4f: {  	_ =	shalt  }
0x50: {  	_ =	shalt  }
0x51: {  	_ =	shalt  }
0x52: {  	_ =	shalt  }
0x53: {  	_ =	shalt  }
0x54: {  	_ =	shalt  }
0x55: {  	_ =	shalt  }
0x56: {  	_ =	shalt  }
0x57: {  	_ =	shalt  }
0x58: {  	_ =	shalt  }
0x59: {  	_ =	shalt  }
0x5a: {  	_ =	shalt  }
0x5b: {  	_ =	shalt  }
0x5c: {  	_ =	shalt  }
0x5d: {  	_ =	shalt  }
0x5e: {  	_ =	shalt  }
0x5f: {  	_ =	shalt  }
0x60: {  	_ =	shalt  }
0x61: {  	_ =	shalt  }
0x62: {  	_ =	shalt  }
0x63: {  	_ =	shalt  }
0x64: {  	_ =	shalt  }
0x65: {  	_ =	shalt  }
0x66: {  	_ =	shalt  }
0x67: {  	_ =	shalt  }
0x68: {  	_ =	shalt  }
0x69: {  	_ =	shalt  }
0x6a: {  	_ =	shalt  }
0x6b: {  	_ =	shalt  }
0x6c: {  	_ =	shalt  }
0x6d: {  	_ =	shalt  }
0x6e: {  	_ =	shalt  }
0x6f: {  	_ =	shalt  }
0x70: {  	_ =	shalt  }
0x71: {  	_ =	shalt  }
0x72: {  	_ =	shalt  }
0x73: {  	_ =	shalt  }
0x74: {  	_ =	shalt  }
0x75: {  	_ =	shalt  }
0x76: {  	_ =	shalt  }
0x77: {  	_ =	shalt  }
0x78: {  	_ =	shalt  }
0x79: {  	_ =	shalt  }
0x7a: {  	_ =	shalt  }
0x7b: {  	_ =	shalt  }
0x7c: {  	_ =	shalt  }
0x7d: {  	_ =	shalt  }
0x7e: {  	_ =	shalt  }
0x7f: {  	_ =	shalt  }
0x80: {  	_ =	shalt  }
0x81: {  	_ =	shalt  }
0x82: {  	_ =	shalt  }
0x83: {  	_ =	shalt  }
0x84: {  	_ =	shalt  }
0x85: {  	_ =	shalt  }
0x86: {  	_ =	shalt  }
0x87: {  	_ =	shalt  }
.Lfunc_end0:
.L_simem_size_0:
called_computation_lowered:
.L_overlay_start_0:
0x88: {  	s2 =	sld [smem:$0x3FD9]  }
0x89: {  	s3 =	sld [smem:$0x3FFE];
	_ =	sdelay $0x1  }
0x8a: {  	s1 =	srdreg.scid  }
0x8b: {  	s0 =	sand.u32 $0x1, s1  }
0x8c: {  	s14 =	sshll.u32 s0, $0xA;
	s2 =	sadd.s32 s3, s2  }
0x8d: {  	s2 =	sadd.s32 s2, s14  }
0x8e: {  	[smem:$0x3FB8] =	sst s2  }
0x8f: {  	_ = 	snop  }
0x90: {  	s2 =	sld [smem:$0x3FD0];
	_ =	sdelay $0x2  }
0x91: {  	s4 =	simm.s32 $0xA;
	s5 =	simm.s32 $0x10;
	s15 =	sld [smem:$0x3FC6]  }
0x92: {  	[smem:s5], [sflag:s4] =	dma.local [hbm:s2], $0x1  }
0x93: {  	_ =	swait.eq [sflag:s4], $0x1  }
0x94: {  	[sflag:s4] =	ssyncset.done $0x0  }
0x95: {  	[sflag:s4] =	ssyncadd.s32 $0xFFFFFFFF  }
0x96: {  	s16 =	sld [smem:$0x13];
	(tm) =	ssettm $0x1  }
0x97: {  	s17 =	sld [smem:$0x3FFB];
	_ =	sdelay $0x3  }
0x98: {  	_ =	strace s17  }
0x99: {  	s4 =	sld [smem:$0x3FFC];
	_ =	sdelay $0x3  }
0x9a: {  	_ =	strace s4  }
0x9b: {  	s4 =	sld [smem:$0x3FFD];
	_ =	sdelay $0x3  }
0x9c: {  	_ =	strace s4  }
0x9d: {  	_ =	strace $0x8FFFFFFF  }
0x9e: {  	s18 =	sld [smem:$0x3FDB];
	_ =	sdelay $0x1  }
0x9f: {  	s19 =	simm.s32 $_scs_section_size  }
0xa0: {  	s6 =	simm.s32 $_size__tile_overlayer_lowered;
	s7 =	simm.s32 $_tile_overlayer_lowered  }
0xa1: {  	s22 =	simm.s32 $0x1BFF;
	s21 =	sshll.u32 s7, $0x1;
	s4 =	sadd.s32 s19, s18  }
0xa2: {  	s8 =	simm.s32 $0x0;
	s20 =	sshll.u32 s6, $0x1;
	s6 =	sadd.s32 s21, s4  }
0xa3: {  	[timem:s8], [sflag:s22] =	dma.local [hbm:s6], s20  }
0xa4: {  	_ =	swait.ge [sflag:s22], s20  }
0xa5: {  	s5 =	ssub.s32 $0x0, s20;
	[sflag:s22] =	ssyncset.done $0x0  }
0xa6: {  	[sflag:s22] =	ssyncadd.s32 s5;
	_ =	sdelay $0x1  }
0xa7: {  	s23 =	simm.s32 $0x1B8B  }
0xa8: {  	_ =	swait.ge [sflag:s23], $0x1  }
0xa9: {  	[sflag:s23] =	ssyncset.done $0x0  }
0xaa: {  	s25 =	simm.s32 $0x1B8E;
	s24 =	sld [smem:$0x3FFE];
	[sflag:s23] =	ssyncadd.s32 $0xFFFFFFFF  }
0xab: {  	s26 =	simm.s32 $execute0_lowered;
	[smem:$0x3FD2] =	sst s25  }
0xac: {  	s6 =	sshll.u32 s26, $0x1;
	_ =	strace $0x80000046;
	[dreg:$0x1] =	wrdreg $0xFFFFFFFF  }
0xad: {  	s28 =	simm.s32 $_size_execute0_lowered;
	s4 =	sadd.s32 s4, s6;
	[dreg:$0x0] =	wrdreg $0x0  }
0xae: {  	s6 =	sshll.u32 s28, $0x1;
	[dreg:$0x2] =	wrdreg s4  }
0xaf: {  	[dreg:$0x3] =	wrdreg s6  }
0xb0: {  	[dreg:$0x4] =	wrdreg $0xC0  }
0xb1: {  	_ =	task [dreg:s8], $0x5FFFF  }
0xb2: {  	[dreg:$0x1] =	wrdreg $0xFFFFFFFF  }
0xb3: {  	[dreg:$0x0] =	wrdreg $0x60  }
0xb4: {  	[dreg:$0x2] =	wrdreg s16  }
0xb5: {  	[dreg:$0x3] =	wrdreg s15  }
0xb6: {  	[dreg:$0x4] =	wrdreg s24  }
0xb7: {  	[dreg:$0x5] =	wrdreg $0x9  }
0xb8: {  	_ =	task.clear_ibuf [dreg:s8], $0x6FFFF;
	_ =	strace $0x90000046  }
0xb9: {  	s29 =	simm.s32 $0x9;
	_ =	strace $0x8000004D  }
0xba: {  	_ =	swait.ge [sflag:s29], $0x1  }
0xbb: {  	[sflag:s29] =	ssyncadd.s32 $0xFFFFFFFF  }
0xbc: {  	_ =	strace $0x9000004D  }
0xbd: {  	_ =	sfence  }
0xbe: {  	s30 =	sld [smem:$0x0];
	_ =	sdelay $0x2  }
0xbf: {  	s31 =	sshll.u32 s1, $0xD;
	s1 =	sshrl.u32 s1, $0x2  }
0xc0: {  	s3 =	sand.u32 $0x4000, s31;
	s1 =	sadd.s32 s1, s30  }
0xc1: {  	s0 =	sor.u32 s3, s0;
	s1 =	sshll.u32 s1, $0x11  }
0xc2: {  	s0 =	sor.u32 s1, s0  }
0xc3: {  	s0 =	sadd.s32 $0x8F2B, s0  }
0xc4: {  	[sflag:s0] =	ssyncadd.remote.s32 $0x1  }
0xc5: {  	_ =	sfence.sel $0xFFFF  }
0xc6: {  	[dreg:$0x0] =	wrdreg $0xFFFFFFFF;
	(pc) =	sbr.abs _section_cstart, $3  }
0xc7: {  	[dreg:$0x1] =	wrdreg $0xFFFFFFFF  }
0xc8: {  	_ =	task.clear_ibuf [dreg:s8], $0x2FFFF;
	_ =	strace $0x9FFFFFFF  }
0xc9: {  	(tm) =	ssettm $0x7FFFFFFF  }
tec
execute0_lowered:
.L_overlay_start_1:
0x0: {  	(tag) =	ssettag $0x1  }
0x1: {  	s2 =	rddreg [dreg:$0x0]  }
0x2: {  	s4 =	rddreg [dreg:$0x1];
	s3 =	srdreg.scid  }
0x3: {  	s9 =	rddreg [dreg:$0x2];
	s1 =	stileid.u32;
	s10 =	sand.u32 $0x1, s3  }
0x4: {  	s3 =	simm.s32 $0x0;
	s6 =	sshll.u32 s1, $0x8;
	s5 =	sshll.u32 s10, $0xC  }
0x5: {  	[smem:$0x7FF] =	sst s3;
	s11 =	sor.u32 s6, s5  }
0x6: {  	s0 =	rddreg [dreg:$0x3];
	_ =	strace $0x80000047;
	s5 =	sshrl.u32 s11, $0x3  }
0x7: {  	_ =	strace $0x80000048;
	s4 =	sadd.s32 s4, s5  }
0x8: {  	[tilespmem:s3], [sflag:$0x1] =	stream.linear.gather [hbm4b:s4+s3], $0x100, $0x200038;
	[tilespmem:$0x10200] =	vst v63  }
0x9: {  	_ =	strace $0x90000048  }
0xa: {  	s5 =	simm.s32 $0x1;
	_ =	strace $0x80000049  }
0xb: {  	_ =	swait.ge [sflag:s5], $0x100  }
0xc: {  	[sflag:s5] =	ssyncset.done $0x0  }
0xd: {  	[sflag:s5] =	ssyncadd.s32 $0xFFFFFF00  }
0xe: {  	s7 =	simm.s32 $0x200;
	_ =	strace $0x90000049  }
0xf: {  	s8 =	simm.s32 $0x5;
	s6 =	simm.s32 $0x100;
	_ =	strace $0x8000004A  }
0x10: {  	[tilespmem:s7], [sflag:$0x5] =	stream.indirect.gather [hbm4b:s2+s6], $0x80, s3, s6, $0x2000b8;
	[tilespmem:$0x10200] =	vst v63  }
0x11: {  	s10 =	ssub.s32 $0x2, s10;
	_ =	swait.ge [sflag:s8], $0x8000  }
0x12: {  	s31 =	sshrl.u32 s10, $0x1;
	s11 =	sshll.u32 s11, $0x4;
	[sflag:s8] =	ssyncset.done $0x0  }
0x13: {  	s9 =	sadd.s32 s11, s9;
	s11 =	ssub.s32 s10, s31;
	[sflag:s8] =	ssyncadd.s32 $0xFFFF8000  }
0x14: {  	s11 =	smax.u32 s11, $0x1;
	_ =	strace $0x9000004A  }
0x15: {  	s9 =	sadd.s32 $0x1800, s9;
	p0 =	sne.s32 s11, $0x1;
	_ =	strace $0x8000004B  }
0x16: {  	[hbm4b:s9+s3] =	stream.linear.scatter [tilespmem:s7], [sflag:$0x3], $0x8000, $0x200038;
	[tilespmem:$0x10200] =	vst v63  }
.Ltmp0:
0x17: {  	_ =	strace $0x9000004B;
	(pc) =	sbr.rel @!p0 .LBB2_2-.Ltmp0, $4  }
0x18: {  	s10 =	simm.s32 $0x3;
	_ =	strace $0x8000004C  }
0x19: {  	_ =	swait.ge [sflag:s10], $0x8000  }
0x1a: {  	[sflag:s10] =	ssyncset.done $0x0  }
0x1b: {  	s11 =	sadd.s32 $0xFFFFFFFF, s11;
	[sflag:s10] =	ssyncadd.s32 $0xFFFF8000  }
.LBB2_1:
0x1c: {  	p0 =	sne.s32 s11, $0x1;
	s11 =	sadd.s32 $0xFFFFFFFF, s11;
	_ =	strace $0x9000004C  }
0x1d: {  	_ =	strace $0x80000048  }
0x1e: {  	[tilespmem:s3], [sflag:$0x1] =	stream.linear.gather [hbm4b:s4+s3], $0x100, $0x200038;
	[tilespmem:$0x10200] =	vst v63  }
0x1f: {  	_ =	strace $0x90000048  }
0x20: {  	_ =	strace $0x80000049  }
0x21: {  	_ =	swait.ge [sflag:s5], $0x100  }
0x22: {  	[sflag:s5] =	ssyncset.done $0x0  }
0x23: {  	[sflag:s5] =	ssyncadd.s32 $0xFFFFFF00  }
0x24: {  	_ =	strace $0x90000049  }
0x25: {  	_ =	strace $0x8000004A  }
0x26: {  	[tilespmem:s7], [sflag:$0x5] =	stream.indirect.gather [hbm4b:s2+s6], $0x80, s3, s6, $0x2000b8;
	[tilespmem:$0x10200] =	vst v63  }
0x27: {  	_ =	swait.ge [sflag:s8], $0x8000  }
0x28: {  	[sflag:s8] =	ssyncset.done $0x0  }
0x29: {  	[sflag:s8] =	ssyncadd.s32 $0xFFFF8000  }
0x2a: {  	_ =	strace $0x9000004A  }
0x2b: {  	_ =	strace $0x8000004B  }
0x2c: {  	[hbm4b:s9+s3] =	stream.linear.scatter [tilespmem:s7], [sflag:$0x3], $0x8000, $0x200038;
	[tilespmem:$0x10200] =	vst v63  }
.Ltmp1:
0x2d: {  	_ =	strace $0x9000004B;
	(pc) =	sbr.rel @p0 .LBB2_1-.Ltmp1, $4  }
0x2e: {  	_ =	strace $0x8000004C  }
0x2f: {  	_ =	swait.ge [sflag:s10], $0x8000  }
0x30: {  	[sflag:s10] =	ssyncset.done $0x0  }
0x31: {  	[sflag:s10] =	ssyncadd.s32 $0xFFFF8000  }
.LBB2_2:
0x32: {  	_ =	strace $0x9000004C  }
0x33: {  	_ =	sfence.sel $0x180000  }
0x34: {  	[bflag:$0x0] =	sbarrier.arrive $0xFFFF  }
0x35: {  	p0 =	sne.s32 s1, $0x0;
	_ =	strace $0x90000047  }
0x36: {  	s0 =	sadd.s32 @!p0 $0x100000, s0;
	[bflag:$0x2] =	sbarrier.arrive $0xFFFF  }
0x37: {  	[sflag:s0] =	ssyncadd.tile.s32 @!p0 $0x1;
	_ =	shalt  }
.Lfunc_end2:
_tile_overlayer_lowered:
.L_overlay_start_2:
0x38: {  	(tag) =	ssettag $0x2  }
0x39: {  	s0 =	rddreg [dreg:$0x0];
	s2 =	stileid.u32  }
0x3a: {  	s1 =	rddreg [dreg:$0x1];
	p0 =	sne.s32 s2, $0x0  }
0x3b: {  	s3 =	rddreg [dreg:$0x2];
	[bflag:$0x3] =	sbarrier.arrive $0xFFFF;
	s2 =	simm.s32 @!p0 $0x1C01  }
0x3c: {  	[timem:s3], [sflag:s2] =	dma.local @!p0 [hbm:s0], s1  }
0x3d: {  	s0 =	simm.s32 @!p0 $0x1  }
0x3e: {  	_ =	swait.ge @!p0 [sflag:s0], s1  }
0x3f: {  	s1 =	ssub.s32 @!p0 $0x0, s1;
	[sflag:s0] =	ssyncset.done @!p0 $0x0  }
0x40: {  	[sflag:s0] =	ssyncadd.s32 @!p0 s1  }
0x41: {  	[bflag:$0x3] =	sbarrier.arrive $0xFFFF  }
0x42: {  	_ =	shalt  }

</sc_bundles>
